<compile_context>
chip_gen: v7x
topology: tpu7x:2x2x1
jax: 0.10.2.dev20260603
libtpu: 0.0.44.dev20260713+nightly
codegen_flags: <defaults>
</compile_context>

<pallas_src>
import functools

import jax
import jax.numpy as jnp
from jax import lax
from jax.experimental import pallas as pl
from jax.experimental.pallas import tpu as pltpu
from jax.experimental.pallas import tpu_sc as plsc

_NC = 2
_NS = 16
_NW = _NC * _NS
_CHUNK = 128


def _in2f_body(x_ref, w_ref, j_ref, k_ref, y_ref, yb_ref, idx_ref):
    y = jnp.dot(x_ref[...], w_ref[...], preferred_element_type=jnp.float32)
    y_ref[...] = y
    yb_ref[...] = y.astype(jnp.bfloat16)
    b, na_sc, nbh = j_ref.shape
    na = y.shape[0] // b
    boff = lax.broadcasted_iota(jnp.int32, (b, na_sc, nbh), 0) * na
    half = b * na_sc
    idx_ref[:half, 0, :] = (j_ref[...] + boff).reshape(half, nbh)
    idx_ref[half:, 0, :] = (k_ref[...] + boff).reshape(half, nbh)


def _assist_body(y_ref, j_ref, k_ref, rij_ref, rik_ref, m_ref, d_ref,
                 wft_ref, bft_ref, wfo_ref, bfo_ref, o_ref):
    _, ablk, nbh, g = d_ref.shape
    na, f = y_ref.shape[1], y_ref.shape[2]
    rij = rij_ref[0]
    rik = rik_ref[0]
    m = m_ref[0]
    inv = m / (rij + rik)
    cj = (rij * inv)[..., None].astype(jnp.bfloat16)
    ck = (rik * inv)[..., None].astype(jnp.bfloat16)
    jj = j_ref[0][..., None].astype(jnp.int16)
    kk = k_ref[0][..., None].astype(jnp.int16)
    aid = lax.broadcasted_iota(jnp.int16, (1, 1, na), 2)
    zero = jnp.zeros((), jnp.bfloat16)
    c_mat = (jnp.where(jj == aid, cj, zero)
             + jnp.where(kk == aid, ck, zero))
    z = jnp.dot(c_mat.reshape(ablk * nbh, na), y_ref[0],
                preferred_element_type=jnp.float32)
    wt = jnp.dot(d_ref[0].reshape(ablk * nbh, g), wft_ref[...],
                 preferred_element_type=jnp.float32)
    wt = wt + bft_ref[0][None, :]
    y2 = jnp.sum((wt * z).reshape(ablk, nbh, f), axis=1)
    o_ref[0] = (jnp.dot(y2, wfo_ref[...],
                        preferred_element_type=jnp.float32)
                + bfo_ref[0][None, :])


_NBUF = 5


def _make_gather(n_rows, f):
    n_chunks = n_rows // _CHUNK
    cpw = n_chunks // _NW
    n_iter = cpw // _NBUF
    mesh = plsc.VectorSubcoreMesh(core_axis_name="c", subcore_axis_name="s")

    @functools.partial(
        pl.kernel,
        mesh=mesh,
        out_type=jax.ShapeDtypeStruct((n_rows, f), jnp.float32),
        scratch_types=[
            pltpu.VMEM((cpw, 1, _CHUNK), jnp.int32),
            pltpu.VMEM((_NBUF, _CHUNK, f), jnp.float32),
        ] + [pltpu.SemaphoreType.DMA] * (2 * _NBUF),
    )
    def gather_kernel(table_hbm, idx_hbm, out_hbm, idx_v, rows_v, *sems):
        gsem = sems[:_NBUF]
        osem = sems[_NBUF:]
        wid = lax.axis_index("s") * _NC + lax.axis_index("c")
        base = wid * cpw
        pltpu.sync_copy(idx_hbm.at[pl.ds(base, cpw)], idx_v)

        def start_gather(bx, c):
            pltpu.async_copy(table_hbm.at[idx_v.at[c, 0]], rows_v.at[bx],
                             gsem[bx])

        def wait_gather(bx, c):
            pltpu.make_async_copy(table_hbm.at[idx_v.at[c, 0]], rows_v.at[bx],
                                  gsem[bx]).wait()

        def start_out(bx, c):
            row0 = (base + c) * _CHUNK
            pltpu.async_copy(rows_v.at[bx], out_hbm.at[pl.ds(row0, _CHUNK)],
                             osem[bx])

        def wait_out(bx):
            pltpu.make_async_copy(rows_v.at[bx],
                                  out_hbm.at[pl.ds(0, _CHUNK)],
                                  osem[bx]).wait()

        for bx in range(_NBUF):
            start_gather(bx, bx)

        def body(g, carry):
            c0 = g * _NBUF
            for bx in range(_NBUF):
                wait_gather(bx, c0 + bx)
                start_out(bx, c0 + bx)
            nxt = c0 + _NBUF

            @pl.when(nxt < cpw)
            def _refill():
                for bx in range(_NBUF):
                    wait_out(bx)
                    start_gather(bx, nxt + bx)

            return carry

        lax.fori_loop(0, n_iter, body, None)
        for bx in range(_NBUF):
            wait_out(bx)

    return gather_kernel


def _combine_body(yj_ref, yk_ref, rij_ref, rik_ref, m_ref, d_ref,
                  wft_ref, bft_ref, wfo_ref, bfo_ref, o_ref):
    _, ablk, nbh, g = d_ref.shape
    f = yj_ref.shape[4]
    rij = rij_ref[0]
    rik = rik_ref[0]
    m = m_ref[0]
    inv = m / (rij + rik)
    cj = (rij * inv)[:, None, :]
    ck = (rik * inv)[:, None, :]
    wt = jnp.dot(d_ref[0].reshape(ablk * nbh, g), wft_ref[...],
                 preferred_element_type=jnp.float32)
    wt = wt.reshape(ablk, nbh, f) + bft_ref[0][None, None, :]
    pj = wt * yj_ref[0, 0]
    pk = wt * yk_ref[0, 0]
    dn = (((2,), (1,)), ((0,), (0,)))
    y2 = (lax.dot_general(cj, pj, dn, preferred_element_type=jnp.float32)
          + lax.dot_general(ck, pk, dn,
                            preferred_element_type=jnp.float32))[:, 0, :]
    o_ref[0] = (jnp.dot(y2, wfo_ref[...],
                        preferred_element_type=jnp.float32)
                + bfo_ref[0][None, :])


def kernel(x, r_double, r_ij, r_ik, r_jk, neighbors, neighbor_mask,
           neighbors_j, neighbors_k, triple_masks, d_ijk, W_in2f, W_f2out,
           b_f2out, W_fd, b_fd, W_ft, b_ft):
    b, na, nbh = neighbors_j.shape
    f = x.shape[2]
    g = d_ijk.shape[3]

    na_sc = 640
    na_tc = na - na_sc
    ablk = 40
    npb = na_sc // ablk
    rows_sc = 2 * b * na_sc * nbh

    y, y_b16, idx_sc = pl.pallas_call(
        _in2f_body,
        out_shape=[jax.ShapeDtypeStruct((b * na, f), jnp.float32),
                   jax.ShapeDtypeStruct((b * na, f), jnp.bfloat16),
                   jax.ShapeDtypeStruct((rows_sc // _CHUNK, 1, _CHUNK),
                                        jnp.int32)],
    )(x.reshape(b * na, f), W_in2f,
      lax.slice_in_dim(neighbors_j, 0, na_sc, axis=1),
      lax.slice_in_dim(neighbors_k, 0, na_sc, axis=1))
    y_b16 = y_b16.reshape(b, na, f)

    outs = []
    yjk = _make_gather(rows_sc, f)(y, idx_sc).reshape(2, b, na_sc, nbh, f)
    out_sc = pl.pallas_call(
        _combine_body,
        grid=(b, npb),
        in_specs=[
            pl.BlockSpec((1, 1, ablk, nbh, f),
                         lambda bi, i: (0, bi, i, 0, 0)),
            pl.BlockSpec((1, 1, ablk, nbh, f),
                         lambda bi, i: (1, bi, i, 0, 0)),
            pl.BlockSpec((1, ablk, nbh), lambda bi, i: (bi, i, 0)),
            pl.BlockSpec((1, ablk, nbh), lambda bi, i: (bi, i, 0)),
            pl.BlockSpec((1, ablk, nbh), lambda bi, i: (bi, i, 0)),
            pl.BlockSpec((1, ablk, nbh, g), lambda bi, i: (bi, i, 0, 0)),
            pl.BlockSpec((g, f), lambda bi, i: (0, 0)),
            pl.BlockSpec((1, f), lambda bi, i: (0, 0)),
            pl.BlockSpec((f, f), lambda bi, i: (0, 0)),
            pl.BlockSpec((1, f), lambda bi, i: (0, 0)),
        ],
        out_specs=pl.BlockSpec((1, ablk, f), lambda bi, i: (bi, i, 0)),
        out_shape=jax.ShapeDtypeStruct((b, na_sc, f), jnp.float32),
        compiler_params=pltpu.CompilerParams(
            dimension_semantics=("parallel", "parallel")),
    )(yjk, yjk, r_ij, r_ik, triple_masks, d_ijk, W_ft,
      b_ft.reshape(1, f), W_f2out, b_f2out.reshape(1, f))
    outs.append(out_sc)

    ablk2 = 8
    nb2 = na_tc // ablk2
    blk0 = na_sc // ablk2
    out_tc = pl.pallas_call(
        _assist_body,
        grid=(b, nb2),
        in_specs=[
            pl.BlockSpec((1, na, f), lambda bi, i: (bi, 0, 0)),
            pl.BlockSpec((1, ablk2, nbh), lambda bi, i: (bi, blk0 + i, 0)),
            pl.BlockSpec((1, ablk2, nbh), lambda bi, i: (bi, blk0 + i, 0)),
            pl.BlockSpec((1, ablk2, nbh), lambda bi, i: (bi, blk0 + i, 0)),
            pl.BlockSpec((1, ablk2, nbh), lambda bi, i: (bi, blk0 + i, 0)),
            pl.BlockSpec((1, ablk2, nbh), lambda bi, i: (bi, blk0 + i, 0)),
            pl.BlockSpec((1, ablk2, nbh, g),
                         lambda bi, i: (bi, blk0 + i, 0, 0)),
            pl.BlockSpec((g, f), lambda bi, i: (0, 0)),
            pl.BlockSpec((1, f), lambda bi, i: (0, 0)),
            pl.BlockSpec((f, f), lambda bi, i: (0, 0)),
            pl.BlockSpec((1, f), lambda bi, i: (0, 0)),
        ],
        out_specs=pl.BlockSpec((1, ablk2, f), lambda bi, i: (bi, i, 0)),
        out_shape=jax.ShapeDtypeStruct((b, na_tc, f), jnp.float32),
        compiler_params=pltpu.CompilerParams(
            dimension_semantics=("parallel", "parallel")),
    )(y_b16, neighbors_j, neighbors_k, r_ij, r_ik, triple_masks, d_ijk,
      W_ft, b_ft.reshape(1, f), W_f2out, b_f2out.reshape(1, f))
    outs.append(out_tc)
    return jnp.concatenate(outs, axis=1)

# --- scband reference (transcript-rebuilt; emitter-appended) ---
"""Pipeline reference for scband-cfconv-triple-37795712205372 (READ-ONLY COPY).

The authoritative reference and input builder live on the scoring server;
editing this copy changes nothing except your own understanding.
"""

import jax, jax.numpy as jnp
import numpy as np

B, NA, NBH, F, G = 4, 1000, 128, 128, 20


def setup_inputs(seed: int = 0) -> dict:
    key = jax.random.key(seed)
    ks = jax.random.split(key, 16)
    inp = {}
    inp["x"] = jax.random.normal(ks[0], (B, NA, F), dtype=jnp.float32)
    inp["r_double"] = jax.random.uniform(ks[1], (B, NA, NBH), dtype=jnp.float32)
    inp["r_ij"] = jax.random.uniform(ks[2], (B, NA, NBH), dtype=jnp.float32)
    inp["r_ik"] = jax.random.uniform(ks[3], (B, NA, NBH), dtype=jnp.float32)
    inp["r_jk"] = jax.random.uniform(ks[4], (B, NA, NBH), dtype=jnp.float32)
    inp["neighbors"] = jax.random.randint(ks[5], (B, NA, NBH), 0, NA, dtype=jnp.int32)
    inp["neighbor_mask"] = jnp.ones((B, NA, NBH), dtype=jnp.float32)
    inp["neighbors_j"] = jax.random.randint(ks[6], (B, NA, NBH), 0, NA, dtype=jnp.int32)
    inp["neighbors_k"] = jax.random.randint(ks[7], (B, NA, NBH), 0, NA, dtype=jnp.int32)
    inp["triple_masks"] = jnp.ones((B, NA, NBH), dtype=jnp.float32)
    inp["d_ijk"] = jax.random.normal(ks[8], (B, NA, NBH, G), dtype=jnp.float32) * 0.5
    # learned parameters
    inp["W_in2f"] = jax.random.normal(ks[9], (F, F), dtype=jnp.float32) * 0.05   # in2f Dense, bias=False
    inp["W_f2out"] = jax.random.normal(ks[10], (F, F), dtype=jnp.float32) * 0.05  # f2out Dense
    inp["b_f2out"] = jnp.zeros((F,), dtype=jnp.float32)
    inp["W_fd"] = jax.random.normal(ks[11], (1, F), dtype=jnp.float32) * 0.05     # filter_network_double (Dense 1->F)
    inp["b_fd"] = jnp.zeros((F,), dtype=jnp.float32)
    inp["W_ft"] = jax.random.normal(ks[12], (G, F), dtype=jnp.float32) * 0.05     # filter_network_triple (Dense G->F)
    inp["b_ft"] = jnp.zeros((F,), dtype=jnp.float32)
    return inp


def reference(x, r_double, r_ij, r_ik, r_jk, neighbors, neighbor_mask, neighbors_j,
              neighbors_k, triple_masks, d_ijk, W_in2f, W_f2out, b_f2out,
              W_fd, b_fd, W_ft, b_ft):
    # filter_network_double on expanded double distances (f_double=None path)
    f_double = r_double[..., None]
    W_double = jnp.dot(f_double, W_fd) + b_fd  # computed as in the module (cutoff_network is None)
    # filter_network_triple on angular features
    W_triple = jnp.dot(d_ijk, W_ft) + b_ft     # (B, NA, NBH, F)
    # in2f
    y = jnp.dot(x, W_in2f)                     # (B, NA, F)
    b, na, nbh = neighbors_j.shape
    f = y.shape[2]
    nbh_j = neighbors_j.reshape(b, na * nbh)[:, :, None]
    nbh_k = neighbors_k.reshape(b, na * nbh)[:, :, None]
    y_j = jnp.take_along_axis(y, nbh_j, axis=1)            # gather (B, NA*NBH, F)
    y_k = jnp.take_along_axis(y, nbh_k, axis=1)
    r_ij_nbh = r_ij.reshape(b, na * nbh)[:, :, None]
    r_ik_nbh = r_ik.reshape(b, na * nbh)[:, :, None]
    y2 = (r_ij_nbh * y_j + r_ik_nbh * y_k) / (r_ij_nbh + r_ik_nbh)
    y2 = y2.reshape(b, na, nbh, f)
    y2 = y2 * W_triple
    # Aggregate over axis=2 with triple_masks, mean=False
    y2 = jnp.sum(y2 * triple_masks[..., None], axis=2)     # (B, NA, F)
    # f2out (activation=None)
    out = jnp.dot(y2, W_f2out) + b_f2out
    return out

if __name__ == "__main__":
    import jax
    _d = setup_inputs()
    print(jax.jit(kernel)(*tuple(_d.values())))

</pallas_src>

<mosaic_0001>
#map = affine_map<(d0, d1) -> (0, 0)>
#map1 = affine_map<(d0, d1) -> (0, 0, 0)>
module attributes {stable_mosaic.version = 14 : i64} {
  func.func @gather_kernel(%arg0: i32, %arg1: i32, %arg2: memref<4000x128xf32, #tpu.memory_space<hbm>>, %arg3: memref<5120x1x128xi32, #tpu.memory_space<hbm>>, %arg4: memref<655360x128xf32, #tpu.memory_space<hbm>>, %arg5: memref<160x1x128xi32, #tpu.memory_space<vmem>>, %arg6: memref<5x128x128xf32, #tpu.memory_space<vmem>>, %arg7: memref<!tpu.dma_semaphore, #tpu.memory_space<semaphore_mem>>, %arg8: memref<!tpu.dma_semaphore, #tpu.memory_space<semaphore_mem>>, %arg9: memref<!tpu.dma_semaphore, #tpu.memory_space<semaphore_mem>>, %arg10: memref<!tpu.dma_semaphore, #tpu.memory_space<semaphore_mem>>, %arg11: memref<!tpu.dma_semaphore, #tpu.memory_space<semaphore_mem>>, %arg12: memref<!tpu.dma_semaphore, #tpu.memory_space<semaphore_mem>>, %arg13: memref<!tpu.dma_semaphore, #tpu.memory_space<semaphore_mem>>, %arg14: memref<!tpu.dma_semaphore, #tpu.memory_space<semaphore_mem>>, %arg15: memref<!tpu.dma_semaphore, #tpu.memory_space<semaphore_mem>>, %arg16: memref<!tpu.dma_semaphore, #tpu.memory_space<semaphore_mem>>) attributes {dimension_semantics = [#tpu.dimension_semantics<core_parallel>, #tpu.dimension_semantics<subcore_parallel>], iteration_bounds = array<i64: 2, 16>, scalar_prefetch = 0 : i64, scratch_operands = 12 : i64, tpu.core_type = #tpu.core_type<sc_vector_subcore>, window_params = [{transform_indices = #map}, {transform_indices = #map1}, {transform_indices = #map}]} {
    %mul3A = arith.constant 2 : i32
    %mul3A_0 = arith.muli %arg1, %mul3A : i32
    %add3A = arith.addi %mul3A_0, %arg0 : i32
    %mul3A_1 = arith.constant 160 : i32
    %mul3A_2 = arith.muli %add3A, %mul3A_1 : i32
    "tpu.region"() ({
      %run_scoped3A = tpu.sem_alloc : memref<!tpu.dma_semaphore, #tpu.memory_space<semaphore_mem>>
      %dma_start3A_145 = arith.constant 0 : i32
      %dma_start3A_146 = arith.constant 0 : i32
      %dma_start3A_147 = tpu.memref_slice %arg3[%mul3A_2, %dma_start3A_145, %dma_start3A_146] : memref<5120x1x128xi32, #tpu.memory_space<hbm>> -> memref<160x1x128xi32, #tpu.memory_space<hbm>>
      %dma_start3A_148 = arith.constant 0 : i32
      %dma_start3A_149 = arith.constant 0 : i32
      %dma_start3A_150 = tpu.memref_slice %arg3[%mul3A_2, %dma_start3A_148, %dma_start3A_149] : memref<5120x1x128xi32, #tpu.memory_space<hbm>> -> memref<160x1x128xi32, #tpu.memory_space<hbm>>
      tpu.enqueue_dma source(%dma_start3A_150 : memref<160x1x128xi32, #tpu.memory_space<hbm>>) target(%arg5 : memref<160x1x128xi32, #tpu.memory_space<vmem>>) target_semaphore(%run_scoped3A : memref<!tpu.dma_semaphore, #tpu.memory_space<semaphore_mem>>)
      %dma_wait3A_151 = arith.constant 0 : i32
      %dma_wait3A_152 = arith.constant 0 : i32
      %dma_wait3A_153 = tpu.memref_slice %arg3[%mul3A_2, %dma_wait3A_151, %dma_wait3A_152] : memref<5120x1x128xi32, #tpu.memory_space<hbm>> -> memref<160x1x128xi32, #tpu.memory_space<hbm>>
      %dma_wait3A_154 = arith.constant 0 : i32
      %dma_wait3A_155 = arith.constant 0 : i32
      %dma_wait3A_156 = tpu.memref_slice %arg3[%mul3A_2, %dma_wait3A_154, %dma_wait3A_155] : memref<5120x1x128xi32, #tpu.memory_space<hbm>> -> memref<160x1x128xi32, #tpu.memory_space<hbm>>
      tpu.wait_dma2 semaphore(%run_scoped3A : memref<!tpu.dma_semaphore, #tpu.memory_space<semaphore_mem>>) src(%dma_wait3A_156 : memref<160x1x128xi32, #tpu.memory_space<hbm>>) dst(%arg5 : memref<160x1x128xi32, #tpu.memory_space<vmem>>)
      tpu.yield
    }) : () -> ()
    %dma_start3A = arith.constant 0 : i32
    %dma_start3A_3 = arith.constant 0 : i32
    %dma_start3A_4 = arith.constant 0 : i32
    %dma_start3A_5 = arith.constant 0 : i32
    %dma_start3A_6 = arith.constant 0 : i32
    %dma_start3A_7 = tpu.memref_slice %arg6[%dma_start3A_4, %dma_start3A_5, %dma_start3A_6] : memref<5x128x128xf32, #tpu.memory_space<vmem>> -> memref<1x128x128xf32, #tpu.memory_space<vmem>>
    %dma_start3A_8 = tpu.memref_squeeze %dma_start3A_7 : memref<1x128x128xf32, #tpu.memory_space<vmem>> -> memref<128x128xf32, #tpu.memory_space<vmem>>
    %dma_start3A_9 = arith.constant 0 : i32
    %dma_start3A_10 = tpu.memref_slice %arg5[%dma_start3A, %dma_start3A_3, %dma_start3A_9] : memref<160x1x128xi32, #tpu.memory_space<vmem>> -> memref<1x1x128xi32, #tpu.memory_space<vmem>>
    %dma_start3A_11 = tpu.memref_squeeze %dma_start3A_10 : memref<1x1x128xi32, #tpu.memory_space<vmem>> -> memref<128xi32, #tpu.memory_space<vmem>>
    %dma_start3A_12 = arith.constant 0 : i32
    %dma_start3A_13 = arith.constant 0 : i32
    %dma_start3A_14 = tpu.memref_slice %arg2[%dma_start3A_12, %dma_start3A_13] : memref<4000x128xf32, #tpu.memory_space<hbm>> -> memref<4000x128xf32, #tpu.memory_space<hbm>>
    tpu.enqueue_indirect_dma source(%dma_start3A_14 : memref<4000x128xf32, #tpu.memory_space<hbm>>) target(%dma_start3A_8 : memref<128x128xf32, #tpu.memory_space<vmem>>) offsets(%dma_start3A_11 : memref<128xi32, #tpu.memory_space<vmem>>) semaphore(%arg7 : memref<!tpu.dma_semaphore, #tpu.memory_space<semaphore_mem>>)
    %dma_start3A_15 = arith.constant 1 : i32
    %dma_start3A_16 = arith.constant 0 : i32
    %dma_start3A_17 = arith.constant 1 : i32
    %dma_start3A_18 = arith.constant 0 : i32
    %dma_start3A_19 = arith.constant 0 : i32
    %dma_start3A_20 = tpu.memref_slice %arg6[%dma_start3A_17, %dma_start3A_18, %dma_start3A_19] : memref<5x128x128xf32, #tpu.memory_space<vmem>> -> memref<1x128x128xf32, #tpu.memory_space<vmem>>
    %dma_start3A_21 = tpu.memref_squeeze %dma_start3A_20 : memref<1x128x128xf32, #tpu.memory_space<vmem>> -> memref<128x128xf32, #tpu.memory_space<vmem>>
    %dma_start3A_22 = arith.constant 0 : i32
    %dma_start3A_23 = tpu.memref_slice %arg5[%dma_start3A_15, %dma_start3A_16, %dma_start3A_22] : memref<160x1x128xi32, #tpu.memory_space<vmem>> -> memref<1x1x128xi32, #tpu.memory_space<vmem>>
    %dma_start3A_24 = tpu.memref_squeeze %dma_start3A_23 : memref<1x1x128xi32, #tpu.memory_space<vmem>> -> memref<128xi32, #tpu.memory_space<vmem>>
    %dma_start3A_25 = arith.constant 0 : i32
    %dma_start3A_26 = arith.constant 0 : i32
    %dma_start3A_27 = tpu.memref_slice %arg2[%dma_start3A_25, %dma_start3A_26] : memref<4000x128xf32, #tpu.memory_space<hbm>> -> memref<4000x128xf32, #tpu.memory_space<hbm>>
    tpu.enqueue_indirect_dma source(%dma_start3A_27 : memref<4000x128xf32, #tpu.memory_space<hbm>>) target(%dma_start3A_21 : memref<128x128xf32, #tpu.memory_space<vmem>>) offsets(%dma_start3A_24 : memref<128xi32, #tpu.memory_space<vmem>>) semaphore(%arg8 : memref<!tpu.dma_semaphore, #tpu.memory_space<semaphore_mem>>)
    %dma_start3A_28 = arith.constant 2 : i32
    %dma_start3A_29 = arith.constant 0 : i32
    %dma_start3A_30 = arith.constant 2 : i32
    %dma_start3A_31 = arith.constant 0 : i32
    %dma_start3A_32 = arith.constant 0 : i32
    %dma_start3A_33 = tpu.memref_slice %arg6[%dma_start3A_30, %dma_start3A_31, %dma_start3A_32] : memref<5x128x128xf32, #tpu.memory_space<vmem>> -> memref<1x128x128xf32, #tpu.memory_space<vmem>>
    %dma_start3A_34 = tpu.memref_squeeze %dma_start3A_33 : memref<1x128x128xf32, #tpu.memory_space<vmem>> -> memref<128x128xf32, #tpu.memory_space<vmem>>
    %dma_start3A_35 = arith.constant 0 : i32
    %dma_start3A_36 = tpu.memref_slice %arg5[%dma_start3A_28, %dma_start3A_29, %dma_start3A_35] : memref<160x1x128xi32, #tpu.memory_space<vmem>> -> memref<1x1x128xi32, #tpu.memory_space<vmem>>
    %dma_start3A_37 = tpu.memref_squeeze %dma_start3A_36 : memref<1x1x128xi32, #tpu.memory_space<vmem>> -> memref<128xi32, #tpu.memory_space<vmem>>
    %dma_start3A_38 = arith.constant 0 : i32
    %dma_start3A_39 = arith.constant 0 : i32
    %dma_start3A_40 = tpu.memref_slice %arg2[%dma_start3A_38, %dma_start3A_39] : memref<4000x128xf32, #tpu.memory_space<hbm>> -> memref<4000x128xf32, #tpu.memory_space<hbm>>
    tpu.enqueue_indirect_dma source(%dma_start3A_40 : memref<4000x128xf32, #tpu.memory_space<hbm>>) target(%dma_start3A_34 : memref<128x128xf32, #tpu.memory_space<vmem>>) offsets(%dma_start3A_37 : memref<128xi32, #tpu.memory_space<vmem>>) semaphore(%arg9 : memref<!tpu.dma_semaphore, #tpu.memory_space<semaphore_mem>>)
    %dma_start3A_41 = arith.constant 3 : i32
    %dma_start3A_42 = arith.constant 0 : i32
    %dma_start3A_43 = arith.constant 3 : i32
    %dma_start3A_44 = arith.constant 0 : i32
    %dma_start3A_45 = arith.constant 0 : i32
    %dma_start3A_46 = tpu.memref_slice %arg6[%dma_start3A_43, %dma_start3A_44, %dma_start3A_45] : memref<5x128x128xf32, #tpu.memory_space<vmem>> -> memref<1x128x128xf32, #tpu.memory_space<vmem>>
    %dma_start3A_47 = tpu.memref_squeeze %dma_start3A_46 : memref<1x128x128xf32, #tpu.memory_space<vmem>> -> memref<128x128xf32, #tpu.memory_space<vmem>>
    %dma_start3A_48 = arith.constant 0 : i32
    %dma_start3A_49 = tpu.memref_slice %arg5[%dma_start3A_41, %dma_start3A_42, %dma_start3A_48] : memref<160x1x128xi32, #tpu.memory_space<vmem>> -> memref<1x1x128xi32, #tpu.memory_space<vmem>>
    %dma_start3A_50 = tpu.memref_squeeze %dma_start3A_49 : memref<1x1x128xi32, #tpu.memory_space<vmem>> -> memref<128xi32, #tpu.memory_space<vmem>>
    %dma_start3A_51 = arith.constant 0 : i32
    %dma_start3A_52 = arith.constant 0 : i32
    %dma_start3A_53 = tpu.memref_slice %arg2[%dma_start3A_51, %dma_start3A_52] : memref<4000x128xf32, #tpu.memory_space<hbm>> -> memref<4000x128xf32, #tpu.memory_space<hbm>>
    tpu.enqueue_indirect_dma source(%dma_start3A_53 : memref<4000x128xf32, #tpu.memory_space<hbm>>) target(%dma_start3A_47 : memref<128x128xf32, #tpu.memory_space<vmem>>) offsets(%dma_start3A_50 : memref<128xi32, #tpu.memory_space<vmem>>) semaphore(%arg10 : memref<!tpu.dma_semaphore, #tpu.memory_space<semaphore_mem>>)
    %dma_start3A_54 = arith.constant 4 : i32
    %dma_start3A_55 = arith.constant 0 : i32
    %dma_start3A_56 = arith.constant 4 : i32
    %dma_start3A_57 = arith.constant 0 : i32
    %dma_start3A_58 = arith.constant 0 : i32
    %dma_start3A_59 = tpu.memref_slice %arg6[%dma_start3A_56, %dma_start3A_57, %dma_start3A_58] : memref<5x128x128xf32, #tpu.memory_space<vmem>> -> memref<1x128x128xf32, #tpu.memory_space<vmem>>
    %dma_start3A_60 = tpu.memref_squeeze %dma_start3A_59 : memref<1x128x128xf32, #tpu.memory_space<vmem>> -> memref<128x128xf32, #tpu.memory_space<vmem>>
    %dma_start3A_61 = arith.constant 0 : i32
    %dma_start3A_62 = tpu.memref_slice %arg5[%dma_start3A_54, %dma_start3A_55, %dma_start3A_61] : memref<160x1x128xi32, #tpu.memory_space<vmem>> -> memref<1x1x128xi32, #tpu.memory_space<vmem>>
    %dma_start3A_63 = tpu.memref_squeeze %dma_start3A_62 : memref<1x1x128xi32, #tpu.memory_space<vmem>> -> memref<128xi32, #tpu.memory_space<vmem>>
    %dma_start3A_64 = arith.constant 0 : i32
    %dma_start3A_65 = arith.constant 0 : i32
    %dma_start3A_66 = tpu.memref_slice %arg2[%dma_start3A_64, %dma_start3A_65] : memref<4000x128xf32, #tpu.memory_space<hbm>> -> memref<4000x128xf32, #tpu.memory_space<hbm>>
    tpu.enqueue_indirect_dma source(%dma_start3A_66 : memref<4000x128xf32, #tpu.memory_space<hbm>>) target(%dma_start3A_60 : memref<128x128xf32, #tpu.memory_space<vmem>>) offsets(%dma_start3A_63 : memref<128xi32, #tpu.memory_space<vmem>>) semaphore(%arg11 : memref<!tpu.dma_semaphore, #tpu.memory_space<semaphore_mem>>)
    %scan3A = arith.constant 0 : i32
    %scan3A_67 = arith.constant 32 : i32
    %scan3A_68 = arith.addi %scan3A, %scan3A_67 : i32
    %scan3A_69 = arith.constant 1 : i32
    scf.for %scan3A_145 = %scan3A to %scan3A_68 step %scan3A_69  : i32 {
      %mul3A_146 = arith.constant 5 : i32
      %mul3A_147 = arith.muli %scan3A_145, %mul3A_146 : i32
      %add3A_148 = arith.constant 0 : i32
      %add3A_149 = arith.addi %mul3A_147, %add3A_148 : i32
      %dma_wait3A_150 = arith.constant 0 : i32
      %dma_wait3A_151 = arith.constant 0 : i32
      %dma_wait3A_152 = arith.constant 0 : i32
      %dma_wait3A_153 = arith.constant 0 : i32
      %dma_wait3A_154 = tpu.memref_slice %arg6[%dma_wait3A_151, %dma_wait3A_152, %dma_wait3A_153] : memref<5x128x128xf32, #tpu.memory_space<vmem>> -> memref<1x128x128xf32, #tpu.memory_space<vmem>>
      %dma_wait3A_155 = tpu.memref_squeeze %dma_wait3A_154 : memref<1x128x128xf32, #tpu.memory_space<vmem>> -> memref<128x128xf32, #tpu.memory_space<vmem>>
      %dma_wait3A_156 = arith.constant 0 : i32
      %dma_wait3A_157 = tpu.memref_slice %arg5[%add3A_149, %dma_wait3A_150, %dma_wait3A_156] : memref<160x1x128xi32, #tpu.memory_space<vmem>> -> memref<1x1x128xi32, #tpu.memory_space<vmem>>
      %dma_wait3A_158 = tpu.memref_squeeze %dma_wait3A_157 : memref<1x1x128xi32, #tpu.memory_space<vmem>> -> memref<128xi32, #tpu.memory_space<vmem>>
      %dma_wait3A_159 = arith.constant 0 : i32
      %dma_wait3A_160 = arith.constant 0 : i32
      %dma_wait3A_161 = tpu.memref_slice %arg2[%dma_wait3A_159, %dma_wait3A_160] : memref<4000x128xf32, #tpu.memory_space<hbm>> -> memref<4000x128xf32, #tpu.memory_space<hbm>>
      tpu.wait_indirect_dma semaphore(%arg7 : memref<!tpu.dma_semaphore, #tpu.memory_space<semaphore_mem>>) src(%dma_wait3A_161 : memref<4000x128xf32, #tpu.memory_space<hbm>>) dst(%dma_wait3A_155 : memref<128x128xf32, #tpu.memory_space<vmem>>)
      %add3A_162 = arith.constant 0 : i32
      %add3A_163 = arith.addi %mul3A_147, %add3A_162 : i32
      %add3A_164 = arith.addi %mul3A_2, %add3A_163 : i32
      %mul3A_165 = arith.constant 128 : i32
      %mul3A_166 = arith.muli %add3A_164, %mul3A_165 : i32
      %dma_start3A_167 = arith.constant 0 : i32
      %dma_start3A_168 = arith.constant 0 : i32
      %dma_start3A_169 = arith.constant 0 : i32
      %dma_start3A_170 = tpu.memref_slice %arg6[%dma_start3A_167, %dma_start3A_168, %dma_start3A_169] : memref<5x128x128xf32, #tpu.memory_space<vmem>> -> memref<1x128x128xf32, #tpu.memory_space<vmem>>
      %dma_start3A_171 = tpu.memref_squeeze %dma_start3A_170 : memref<1x128x128xf32, #tpu.memory_space<vmem>> -> memref<128x128xf32, #tpu.memory_space<vmem>>
      %dma_start3A_172 = arith.constant 0 : i32
      %dma_start3A_173 = tpu.memref_slice %arg4[%mul3A_166, %dma_start3A_172] : memref<655360x128xf32, #tpu.memory_space<hbm>> -> memref<128x128xf32, #tpu.memory_space<hbm>>
      %dma_start3A_174 = arith.constant 0 : i32
      %dma_start3A_175 = tpu.memref_slice %arg4[%mul3A_166, %dma_start3A_174] : memref<655360x128xf32, #tpu.memory_space<hbm>> -> memref<128x128xf32, #tpu.memory_space<hbm>>
      %dma_start3A_176 = arith.constant 0 : i32
      %dma_start3A_177 = arith.constant 0 : i32
      %dma_start3A_178 = tpu.memref_slice %arg6[%dma_start3A_167, %dma_start3A_176, %dma_start3A_177] : memref<5x128x128xf32, #tpu.memory_space<vmem>> -> memref<1x128x128xf32, #tpu.memory_space<vmem>>
      %dma_start3A_179 = tpu.memref_squeeze %dma_start3A_178 : memref<1x128x128xf32, #tpu.memory_space<vmem>> -> memref<128x128xf32, #tpu.memory_space<vmem>>
      tpu.enqueue_dma source(%dma_start3A_179 : memref<128x128xf32, #tpu.memory_space<vmem>>) target(%dma_start3A_175 : memref<128x128xf32, #tpu.memory_space<hbm>>) target_semaphore(%arg12 : memref<!tpu.dma_semaphore, #tpu.memory_space<semaphore_mem>>)
      %add3A_180 = arith.constant 1 : i32
      %add3A_181 = arith.addi %mul3A_147, %add3A_180 : i32
      %dma_wait3A_182 = arith.constant 0 : i32
      %dma_wait3A_183 = arith.constant 1 : i32
      %dma_wait3A_184 = arith.constant 0 : i32
      %dma_wait3A_185 = arith.constant 0 : i32
      %dma_wait3A_186 = tpu.memref_slice %arg6[%dma_wait3A_183, %dma_wait3A_184, %dma_wait3A_185] : memref<5x128x128xf32, #tpu.memory_space<vmem>> -> memref<1x128x128xf32, #tpu.memory_space<vmem>>
      %dma_wait3A_187 = tpu.memref_squeeze %dma_wait3A_186 : memref<1x128x128xf32, #tpu.memory_space<vmem>> -> memref<128x128xf32, #tpu.memory_space<vmem>>
      %dma_wait3A_188 = arith.constant 0 : i32
      %dma_wait3A_189 = tpu.memref_slice %arg5[%add3A_181, %dma_wait3A_182, %dma_wait3A_188] : memref<160x1x128xi32, #tpu.memory_space<vmem>> -> memref<1x1x128xi32, #tpu.memory_space<vmem>>
      %dma_wait3A_190 = tpu.memref_squeeze %dma_wait3A_189 : memref<1x1x128xi32, #tpu.memory_space<vmem>> -> memref<128xi32, #tpu.memory_space<vmem>>
      %dma_wait3A_191 = arith.constant 0 : i32
      %dma_wait3A_192 = arith.constant 0 : i32
      %dma_wait3A_193 = tpu.memref_slice %arg2[%dma_wait3A_191, %dma_wait3A_192] : memref<4000x128xf32, #tpu.memory_space<hbm>> -> memref<4000x128xf32, #tpu.memory_space<hbm>>
      tpu.wait_indirect_dma semaphore(%arg8 : memref<!tpu.dma_semaphore, #tpu.memory_space<semaphore_mem>>) src(%dma_wait3A_193 : memref<4000x128xf32, #tpu.memory_space<hbm>>) dst(%dma_wait3A_187 : memref<128x128xf32, #tpu.memory_space<vmem>>)
      %add3A_194 = arith.constant 1 : i32
      %add3A_195 = arith.addi %mul3A_147, %add3A_194 : i32
      %add3A_196 = arith.addi %mul3A_2, %add3A_195 : i32
      %mul3A_197 = arith.constant 128 : i32
      %mul3A_198 = arith.muli %add3A_196, %mul3A_197 : i32
      %dma_start3A_199 = arith.constant 1 : i32
      %dma_start3A_200 = arith.constant 0 : i32
      %dma_start3A_201 = arith.constant 0 : i32
      %dma_start3A_202 = tpu.memref_slice %arg6[%dma_start3A_199, %dma_start3A_200, %dma_start3A_201] : memref<5x128x128xf32, #tpu.memory_space<vmem>> -> memref<1x128x128xf32, #tpu.memory_space<vmem>>
      %dma_start3A_203 = tpu.memref_squeeze %dma_start3A_202 : memref<1x128x128xf32, #tpu.memory_space<vmem>> -> memref<128x128xf32, #tpu.memory_space<vmem>>
      %dma_start3A_204 = arith.constant 0 : i32
      %dma_start3A_205 = tpu.memref_slice %arg4[%mul3A_198, %dma_start3A_204] : memref<655360x128xf32, #tpu.memory_space<hbm>> -> memref<128x128xf32, #tpu.memory_space<hbm>>
      %dma_start3A_206 = arith.constant 0 : i32
      %dma_start3A_207 = tpu.memref_slice %arg4[%mul3A_198, %dma_start3A_206] : memref<655360x128xf32, #tpu.memory_space<hbm>> -> memref<128x128xf32, #tpu.memory_space<hbm>>
      %dma_start3A_208 = arith.constant 0 : i32
      %dma_start3A_209 = arith.constant 0 : i32
      %dma_start3A_210 = tpu.memref_slice %arg6[%dma_start3A_199, %dma_start3A_208, %dma_start3A_209] : memref<5x128x128xf32, #tpu.memory_space<vmem>> -> memref<1x128x128xf32, #tpu.memory_space<vmem>>
      %dma_start3A_211 = tpu.memref_squeeze %dma_start3A_210 : memref<1x128x128xf32, #tpu.memory_space<vmem>> -> memref<128x128xf32, #tpu.memory_space<vmem>>
      tpu.enqueue_dma source(%dma_start3A_211 : memref<128x128xf32, #tpu.memory_space<vmem>>) target(%dma_start3A_207 : memref<128x128xf32, #tpu.memory_space<hbm>>) target_semaphore(%arg13 : memref<!tpu.dma_semaphore, #tpu.memory_space<semaphore_mem>>)
      %add3A_212 = arith.constant 2 : i32
      %add3A_213 = arith.addi %mul3A_147, %add3A_212 : i32
      %dma_wait3A_214 = arith.constant 0 : i32
      %dma_wait3A_215 = arith.constant 2 : i32
      %dma_wait3A_216 = arith.constant 0 : i32
      %dma_wait3A_217 = arith.constant 0 : i32
      %dma_wait3A_218 = tpu.memref_slice %arg6[%dma_wait3A_215, %dma_wait3A_216, %dma_wait3A_217] : memref<5x128x128xf32, #tpu.memory_space<vmem>> -> memref<1x128x128xf32, #tpu.memory_space<vmem>>
      %dma_wait3A_219 = tpu.memref_squeeze %dma_wait3A_218 : memref<1x128x128xf32, #tpu.memory_space<vmem>> -> memref<128x128xf32, #tpu.memory_space<vmem>>
      %dma_wait3A_220 = arith.constant 0 : i32
      %dma_wait3A_221 = tpu.memref_slice %arg5[%add3A_213, %dma_wait3A_214, %dma_wait3A_220] : memref<160x1x128xi32, #tpu.memory_space<vmem>> -> memref<1x1x128xi32, #tpu.memory_space<vmem>>
      %dma_wait3A_222 = tpu.memref_squeeze %dma_wait3A_221 : memref<1x1x128xi32, #tpu.memory_space<vmem>> -> memref<128xi32, #tpu.memory_space<vmem>>
      %dma_wait3A_223 = arith.constant 0 : i32
      %dma_wait3A_224 = arith.constant 0 : i32
      %dma_wait3A_225 = tpu.memref_slice %arg2[%dma_wait3A_223, %dma_wait3A_224] : memref<4000x128xf32, #tpu.memory_space<hbm>> -> memref<4000x128xf32, #tpu.memory_space<hbm>>
      tpu.wait_indirect_dma semaphore(%arg9 : memref<!tpu.dma_semaphore, #tpu.memory_space<semaphore_mem>>) src(%dma_wait3A_225 : memref<4000x128xf32, #tpu.memory_space<hbm>>) dst(%dma_wait3A_219 : memref<128x128xf32, #tpu.memory_space<vmem>>)
      %add3A_226 = arith.constant 2 : i32
      %add3A_227 = arith.addi %mul3A_147, %add3A_226 : i32
      %add3A_228 = arith.addi %mul3A_2, %add3A_227 : i32
      %mul3A_229 = arith.constant 128 : i32
      %mul3A_230 = arith.muli %add3A_228, %mul3A_229 : i32
      %dma_start3A_231 = arith.constant 2 : i32
      %dma_start3A_232 = arith.constant 0 : i32
      %dma_start3A_233 = arith.constant 0 : i32
      %dma_start3A_234 = tpu.memref_slice %arg6[%dma_start3A_231, %dma_start3A_232, %dma_start3A_233] : memref<5x128x128xf32, #tpu.memory_space<vmem>> -> memref<1x128x128xf32, #tpu.memory_space<vmem>>
      %dma_start3A_235 = tpu.memref_squeeze %dma_start3A_234 : memref<1x128x128xf32, #tpu.memory_space<vmem>> -> memref<128x128xf32, #tpu.memory_space<vmem>>
      %dma_start3A_236 = arith.constant 0 : i32
      %dma_start3A_237 = tpu.memref_slice %arg4[%mul3A_230, %dma_start3A_236] : memref<655360x128xf32, #tpu.memory_space<hbm>> -> memref<128x128xf32, #tpu.memory_space<hbm>>
      %dma_start3A_238 = arith.constant 0 : i32
      %dma_start3A_239 = tpu.memref_slice %arg4[%mul3A_230, %dma_start3A_238] : memref<655360x128xf32, #tpu.memory_space<hbm>> -> memref<128x128xf32, #tpu.memory_space<hbm>>
      %dma_start3A_240 = arith.constant 0 : i32
      %dma_start3A_241 = arith.constant 0 : i32
      %dma_start3A_242 = tpu.memref_slice %arg6[%dma_start3A_231, %dma_start3A_240, %dma_start3A_241] : memref<5x128x128xf32, #tpu.memory_space<vmem>> -> memref<1x128x128xf32, #tpu.memory_space<vmem>>
      %dma_start3A_243 = tpu.memref_squeeze %dma_start3A_242 : memref<1x128x128xf32, #tpu.memory_space<vmem>> -> memref<128x128xf32, #tpu.memory_space<vmem>>
      tpu.enqueue_dma source(%dma_start3A_243 : memref<128x128xf32, #tpu.memory_space<vmem>>) target(%dma_start3A_239 : memref<128x128xf32, #tpu.memory_space<hbm>>) target_semaphore(%arg14 : memref<!tpu.dma_semaphore, #tpu.memory_space<semaphore_mem>>)
      %add3A_244 = arith.constant 3 : i32
      %add3A_245 = arith.addi %mul3A_147, %add3A_244 : i32
      %dma_wait3A_246 = arith.constant 0 : i32
      %dma_wait3A_247 = arith.constant 3 : i32
      %dma_wait3A_248 = arith.constant 0 : i32
      %dma_wait3A_249 = arith.constant 0 : i32
      %dma_wait3A_250 = tpu.memref_slice %arg6[%dma_wait3A_247, %dma_wait3A_248, %dma_wait3A_249] : memref<5x128x128xf32, #tpu.memory_space<vmem>> -> memref<1x128x128xf32, #tpu.memory_space<vmem>>
      %dma_wait3A_251 = tpu.memref_squeeze %dma_wait3A_250 : memref<1x128x128xf32, #tpu.memory_space<vmem>> -> memref<128x128xf32, #tpu.memory_space<vmem>>
      %dma_wait3A_252 = arith.constant 0 : i32
      %dma_wait3A_253 = tpu.memref_slice %arg5[%add3A_245, %dma_wait3A_246, %dma_wait3A_252] : memref<160x1x128xi32, #tpu.memory_space<vmem>> -> memref<1x1x128xi32, #tpu.memory_space<vmem>>
      %dma_wait3A_254 = tpu.memref_squeeze %dma_wait3A_253 : memref<1x1x128xi32, #tpu.memory_space<vmem>> -> memref<128xi32, #tpu.memory_space<vmem>>
      %dma_wait3A_255 = arith.constant 0 : i32
      %dma_wait3A_256 = arith.constant 0 : i32
      %dma_wait3A_257 = tpu.memref_slice %arg2[%dma_wait3A_255, %dma_wait3A_256] : memref<4000x128xf32, #tpu.memory_space<hbm>> -> memref<4000x128xf32, #tpu.memory_space<hbm>>
      tpu.wait_indirect_dma semaphore(%arg10 : memref<!tpu.dma_semaphore, #tpu.memory_space<semaphore_mem>>) src(%dma_wait3A_257 : memref<4000x128xf32, #tpu.memory_space<hbm>>) dst(%dma_wait3A_251 : memref<128x128xf32, #tpu.memory_space<vmem>>)
      %add3A_258 = arith.constant 3 : i32
      %add3A_259 = arith.addi %mul3A_147, %add3A_258 : i32
      %add3A_260 = arith.addi %mul3A_2, %add3A_259 : i32
      %mul3A_261 = arith.constant 128 : i32
      %mul3A_262 = arith.muli %add3A_260, %mul3A_261 : i32
      %dma_start3A_263 = arith.constant 3 : i32
      %dma_start3A_264 = arith.constant 0 : i32
      %dma_start3A_265 = arith.constant 0 : i32
      %dma_start3A_266 = tpu.memref_slice %arg6[%dma_start3A_263, %dma_start3A_264, %dma_start3A_265] : memref<5x128x128xf32, #tpu.memory_space<vmem>> -> memref<1x128x128xf32, #tpu.memory_space<vmem>>
      %dma_start3A_267 = tpu.memref_squeeze %dma_start3A_266 : memref<1x128x128xf32, #tpu.memory_space<vmem>> -> memref<128x128xf32, #tpu.memory_space<vmem>>
      %dma_start3A_268 = arith.constant 0 : i32
      %dma_start3A_269 = tpu.memref_slice %arg4[%mul3A_262, %dma_start3A_268] : memref<655360x128xf32, #tpu.memory_space<hbm>> -> memref<128x128xf32, #tpu.memory_space<hbm>>
      %dma_start3A_270 = arith.constant 0 : i32
      %dma_start3A_271 = tpu.memref_slice %arg4[%mul3A_262, %dma_start3A_270] : memref<655360x128xf32, #tpu.memory_space<hbm>> -> memref<128x128xf32, #tpu.memory_space<hbm>>
      %dma_start3A_272 = arith.constant 0 : i32
      %dma_start3A_273 = arith.constant 0 : i32
      %dma_start3A_274 = tpu.memref_slice %arg6[%dma_start3A_263, %dma_start3A_272, %dma_start3A_273] : memref<5x128x128xf32, #tpu.memory_space<vmem>> -> memref<1x128x128xf32, #tpu.memory_space<vmem>>
      %dma_start3A_275 = tpu.memref_squeeze %dma_start3A_274 : memref<1x128x128xf32, #tpu.memory_space<vmem>> -> memref<128x128xf32, #tpu.memory_space<vmem>>
      tpu.enqueue_dma source(%dma_start3A_275 : memref<128x128xf32, #tpu.memory_space<vmem>>) target(%dma_start3A_271 : memref<128x128xf32, #tpu.memory_space<hbm>>) target_semaphore(%arg15 : memref<!tpu.dma_semaphore, #tpu.memory_space<semaphore_mem>>)
      %add3A_276 = arith.constant 4 : i32
      %add3A_277 = arith.addi %mul3A_147, %add3A_276 : i32
      %dma_wait3A_278 = arith.constant 0 : i32
      %dma_wait3A_279 = arith.constant 4 : i32
      %dma_wait3A_280 = arith.constant 0 : i32
      %dma_wait3A_281 = arith.constant 0 : i32
      %dma_wait3A_282 = tpu.memref_slice %arg6[%dma_wait3A_279, %dma_wait3A_280, %dma_wait3A_281] : memref<5x128x128xf32, #tpu.memory_space<vmem>> -> memref<1x128x128xf32, #tpu.memory_space<vmem>>
      %dma_wait3A_283 = tpu.memref_squeeze %dma_wait3A_282 : memref<1x128x128xf32, #tpu.memory_space<vmem>> -> memref<128x128xf32, #tpu.memory_space<vmem>>
      %dma_wait3A_284 = arith.constant 0 : i32
      %dma_wait3A_285 = tpu.memref_slice %arg5[%add3A_277, %dma_wait3A_278, %dma_wait3A_284] : memref<160x1x128xi32, #tpu.memory_space<vmem>> -> memref<1x1x128xi32, #tpu.memory_space<vmem>>
      %dma_wait3A_286 = tpu.memref_squeeze %dma_wait3A_285 : memref<1x1x128xi32, #tpu.memory_space<vmem>> -> memref<128xi32, #tpu.memory_space<vmem>>
      %dma_wait3A_287 = arith.constant 0 : i32
      %dma_wait3A_288 = arith.constant 0 : i32
      %dma_wait3A_289 = tpu.memref_slice %arg2[%dma_wait3A_287, %dma_wait3A_288] : memref<4000x128xf32, #tpu.memory_space<hbm>> -> memref<4000x128xf32, #tpu.memory_space<hbm>>
      tpu.wait_indirect_dma semaphore(%arg11 : memref<!tpu.dma_semaphore, #tpu.memory_space<semaphore_mem>>) src(%dma_wait3A_289 : memref<4000x128xf32, #tpu.memory_space<hbm>>) dst(%dma_wait3A_283 : memref<128x128xf32, #tpu.memory_space<vmem>>)
      %add3A_290 = arith.constant 4 : i32
      %add3A_291 = arith.addi %mul3A_147, %add3A_290 : i32
      %add3A_292 = arith.addi %mul3A_2, %add3A_291 : i32
      %mul3A_293 = arith.constant 128 : i32
      %mul3A_294 = arith.muli %add3A_292, %mul3A_293 : i32
      %dma_start3A_295 = arith.constant 4 : i32
      %dma_start3A_296 = arith.constant 0 : i32
      %dma_start3A_297 = arith.constant 0 : i32
      %dma_start3A_298 = tpu.memref_slice %arg6[%dma_start3A_295, %dma_start3A_296, %dma_start3A_297] : memref<5x128x128xf32, #tpu.memory_space<vmem>> -> memref<1x128x128xf32, #tpu.memory_space<vmem>>
      %dma_start3A_299 = tpu.memref_squeeze %dma_start3A_298 : memref<1x128x128xf32, #tpu.memory_space<vmem>> -> memref<128x128xf32, #tpu.memory_space<vmem>>
      %dma_start3A_300 = arith.constant 0 : i32
      %dma_start3A_301 = tpu.memref_slice %arg4[%mul3A_294, %dma_start3A_300] : memref<655360x128xf32, #tpu.memory_space<hbm>> -> memref<128x128xf32, #tpu.memory_space<hbm>>
      %dma_start3A_302 = arith.constant 0 : i32
      %dma_start3A_303 = tpu.memref_slice %arg4[%mul3A_294, %dma_start3A_302] : memref<655360x128xf32, #tpu.memory_space<hbm>> -> memref<128x128xf32, #tpu.memory_space<hbm>>
      %dma_start3A_304 = arith.constant 0 : i32
      %dma_start3A_305 = arith.constant 0 : i32
      %dma_start3A_306 = tpu.memref_slice %arg6[%dma_start3A_295, %dma_start3A_304, %dma_start3A_305] : memref<5x128x128xf32, #tpu.memory_space<vmem>> -> memref<1x128x128xf32, #tpu.memory_space<vmem>>
      %dma_start3A_307 = tpu.memref_squeeze %dma_start3A_306 : memref<1x128x128xf32, #tpu.memory_space<vmem>> -> memref<128x128xf32, #tpu.memory_space<vmem>>
      tpu.enqueue_dma source(%dma_start3A_307 : memref<128x128xf32, #tpu.memory_space<vmem>>) target(%dma_start3A_303 : memref<128x128xf32, #tpu.memory_space<hbm>>) target_semaphore(%arg16 : memref<!tpu.dma_semaphore, #tpu.memory_space<semaphore_mem>>)
      %add3A_308 = arith.constant 5 : i32
      %add3A_309 = arith.addi %mul3A_147, %add3A_308 : i32
      %lt3A = arith.constant 160 : i32
      %lt3A_310 = arith.cmpi slt, %add3A_309, %lt3A : i32
      %convert_element_type3A = arith.extui %lt3A_310 : i1 to i32
      %cond3A = arith.constant 0 : i32
      %cond3A_311 = arith.cmpi ne, %convert_element_type3A, %cond3A : i32
      scf.if %cond3A_311 {
        %dma_wait3A_312 = arith.constant 0 : i32
        %dma_wait3A_313 = arith.constant 0 : i32
        %dma_wait3A_314 = arith.constant 0 : i32
        %dma_wait3A_315 = tpu.memref_slice %arg6[%dma_wait3A_312, %dma_wait3A_313, %dma_wait3A_314] : memref<5x128x128xf32, #tpu.memory_space<vmem>> -> memref<1x128x128xf32, #tpu.memory_space<vmem>>
        %dma_wait3A_316 = tpu.memref_squeeze %dma_wait3A_315 : memref<1x128x128xf32, #tpu.memory_space<vmem>> -> memref<128x128xf32, #tpu.memory_space<vmem>>
        %dma_wait3A_317 = arith.constant 0 : i32
        %dma_wait3A_318 = arith.constant 0 : i32
        %dma_wait3A_319 = tpu.memref_slice %arg4[%dma_wait3A_317, %dma_wait3A_318] : memref<655360x128xf32, #tpu.memory_space<hbm>> -> memref<128x128xf32, #tpu.memory_space<hbm>>
        %dma_wait3A_320 = arith.constant 0 : i32
        %dma_wait3A_321 = arith.constant 0 : i32
        %dma_wait3A_322 = tpu.memref_slice %arg4[%dma_wait3A_320, %dma_wait3A_321] : memref<655360x128xf32, #tpu.memory_space<hbm>> -> memref<128x128xf32, #tpu.memory_space<hbm>>
        %dma_wait3A_323 = arith.constant 0 : i32
        %dma_wait3A_324 = arith.constant 0 : i32
        %dma_wait3A_325 = tpu.memref_slice %arg6[%dma_wait3A_312, %dma_wait3A_323, %dma_wait3A_324] : memref<5x128x128xf32, #tpu.memory_space<vmem>> -> memref<1x128x128xf32, #tpu.memory_space<vmem>>
        %dma_wait3A_326 = tpu.memref_squeeze %dma_wait3A_325 : memref<1x128x128xf32, #tpu.memory_space<vmem>> -> memref<128x128xf32, #tpu.memory_space<vmem>>
        tpu.wait_dma2 semaphore(%arg12 : memref<!tpu.dma_semaphore, #tpu.memory_space<semaphore_mem>>) src(%dma_wait3A_326 : memref<128x128xf32, #tpu.memory_space<vmem>>) dst(%dma_wait3A_322 : memref<128x128xf32, #tpu.memory_space<hbm>>)
        %add3A_327 = arith.constant 0 : i32
        %add3A_328 = arith.addi %add3A_309, %add3A_327 : i32
        %dma_start3A_329 = arith.constant 0 : i32
        %dma_start3A_330 = arith.constant 0 : i32
        %dma_start3A_331 = arith.constant 0 : i32
        %dma_start3A_332 = arith.constant 0 : i32
        %dma_start3A_333 = tpu.memref_slice %arg6[%dma_start3A_330, %dma_start3A_331, %dma_start3A_332] : memref<5x128x128xf32, #tpu.memory_space<vmem>> -> memref<1x128x128xf32, #tpu.memory_space<vmem>>
        %dma_start3A_334 = tpu.memref_squeeze %dma_start3A_333 : memref<1x128x128xf32, #tpu.memory_space<vmem>> -> memref<128x128xf32, #tpu.memory_space<vmem>>
        %dma_start3A_335 = arith.constant 0 : i32
        %dma_start3A_336 = tpu.memref_slice %arg5[%add3A_328, %dma_start3A_329, %dma_start3A_335] : memref<160x1x128xi32, #tpu.memory_space<vmem>> -> memref<1x1x128xi32, #tpu.memory_space<vmem>>
        %dma_start3A_337 = tpu.memref_squeeze %dma_start3A_336 : memref<1x1x128xi32, #tpu.memory_space<vmem>> -> memref<128xi32, #tpu.memory_space<vmem>>
        %dma_start3A_338 = arith.constant 0 : i32
        %dma_start3A_339 = arith.constant 0 : i32
        %dma_start3A_340 = tpu.memref_slice %arg2[%dma_start3A_338, %dma_start3A_339] : memref<4000x128xf32, #tpu.memory_space<hbm>> -> memref<4000x128xf32, #tpu.memory_space<hbm>>
        tpu.enqueue_indirect_dma source(%dma_start3A_340 : memref<4000x128xf32, #tpu.memory_space<hbm>>) target(%dma_start3A_334 : memref<128x128xf32, #tpu.memory_space<vmem>>) offsets(%dma_start3A_337 : memref<128xi32, #tpu.memory_space<vmem>>) semaphore(%arg7 : memref<!tpu.dma_semaphore, #tpu.memory_space<semaphore_mem>>)
        %dma_wait3A_341 = arith.constant 1 : i32
        %dma_wait3A_342 = arith.constant 0 : i32
        %dma_wait3A_343 = arith.constant 0 : i32
        %dma_wait3A_344 = tpu.memref_slice %arg6[%dma_wait3A_341, %dma_wait3A_342, %dma_wait3A_343] : memref<5x128x128xf32, #tpu.memory_space<vmem>> -> memref<1x128x128xf32, #tpu.memory_space<vmem>>
        %dma_wait3A_345 = tpu.memref_squeeze %dma_wait3A_344 : memref<1x128x128xf32, #tpu.memory_space<vmem>> -> memref<128x128xf32, #tpu.memory_space<vmem>>
        %dma_wait3A_346 = arith.constant 0 : i32
        %dma_wait3A_347 = arith.constant 0 : i32
        %dma_wait3A_348 = tpu.memref_slice %arg4[%dma_wait3A_346, %dma_wait3A_347] : memref<655360x128xf32, #tpu.memory_space<hbm>> -> memref<128x128xf32, #tpu.memory_space<hbm>>
        %dma_wait3A_349 = arith.constant 0 : i32
        %dma_wait3A_350 = arith.constant 0 : i32
        %dma_wait3A_351 = tpu.memref_slice %arg4[%dma_wait3A_349, %dma_wait3A_350] : memref<655360x128xf32, #tpu.memory_space<hbm>> -> memref<128x128xf32, #tpu.memory_space<hbm>>
        %dma_wait3A_352 = arith.constant 0 : i32
        %dma_wait3A_353 = arith.constant 0 : i32
        %dma_wait3A_354 = tpu.memref_slice %arg6[%dma_wait3A_341, %dma_wait3A_352, %dma_wait3A_353] : memref<5x128x128xf32, #tpu.memory_space<vmem>> -> memref<1x128x128xf32, #tpu.memory_space<vmem>>
        %dma_wait3A_355 = tpu.memref_squeeze %dma_wait3A_354 : memref<1x128x128xf32, #tpu.memory_space<vmem>> -> memref<128x128xf32, #tpu.memory_space<vmem>>
        tpu.wait_dma2 semaphore(%arg13 : memref<!tpu.dma_semaphore, #tpu.memory_space<semaphore_mem>>) src(%dma_wait3A_355 : memref<128x128xf32, #tpu.memory_space<vmem>>) dst(%dma_wait3A_351 : memref<128x128xf32, #tpu.memory_space<hbm>>)
        %add3A_356 = arith.constant 1 : i32
        %add3A_357 = arith.addi %add3A_309, %add3A_356 : i32
        %dma_start3A_358 = arith.constant 0 : i32
        %dma_start3A_359 = arith.constant 1 : i32
        %dma_start3A_360 = arith.constant 0 : i32
        %dma_start3A_361 = arith.constant 0 : i32
        %dma_start3A_362 = tpu.memref_slice %arg6[%dma_start3A_359, %dma_start3A_360, %dma_start3A_361] : memref<5x128x128xf32, #tpu.memory_space<vmem>> -> memref<1x128x128xf32, #tpu.memory_space<vmem>>
        %dma_start3A_363 = tpu.memref_squeeze %dma_start3A_362 : memref<1x128x128xf32, #tpu.memory_space<vmem>> -> memref<128x128xf32, #tpu.memory_space<vmem>>
        %dma_start3A_364 = arith.constant 0 : i32
        %dma_start3A_365 = tpu.memref_slice %arg5[%add3A_357, %dma_start3A_358, %dma_start3A_364] : memref<160x1x128xi32, #tpu.memory_space<vmem>> -> memref<1x1x128xi32, #tpu.memory_space<vmem>>
        %dma_start3A_366 = tpu.memref_squeeze %dma_start3A_365 : memref<1x1x128xi32, #tpu.memory_space<vmem>> -> memref<128xi32, #tpu.memory_space<vmem>>
        %dma_start3A_367 = arith.constant 0 : i32
        %dma_start3A_368 = arith.constant 0 : i32
        %dma_start3A_369 = tpu.memref_slice %arg2[%dma_start3A_367, %dma_start3A_368] : memref<4000x128xf32, #tpu.memory_space<hbm>> -> memref<4000x128xf32, #tpu.memory_space<hbm>>
        tpu.enqueue_indirect_dma source(%dma_start3A_369 : memref<4000x128xf32, #tpu.memory_space<hbm>>) target(%dma_start3A_363 : memref<128x128xf32, #tpu.memory_space<vmem>>) offsets(%dma_start3A_366 : memref<128xi32, #tpu.memory_space<vmem>>) semaphore(%arg8 : memref<!tpu.dma_semaphore, #tpu.memory_space<semaphore_mem>>)
        %dma_wait3A_370 = arith.constant 2 : i32
        %dma_wait3A_371 = arith.constant 0 : i32
        %dma_wait3A_372 = arith.constant 0 : i32
        %dma_wait3A_373 = tpu.memref_slice %arg6[%dma_wait3A_370, %dma_wait3A_371, %dma_wait3A_372] : memref<5x128x128xf32, #tpu.memory_space<vmem>> -> memref<1x128x128xf32, #tpu.memory_space<vmem>>
        %dma_wait3A_374 = tpu.memref_squeeze %dma_wait3A_373 : memref<1x128x128xf32, #tpu.memory_space<vmem>> -> memref<128x128xf32, #tpu.memory_space<vmem>>
        %dma_wait3A_375 = arith.constant 0 : i32
        %dma_wait3A_376 = arith.constant 0 : i32
        %dma_wait3A_377 = tpu.memref_slice %arg4[%dma_wait3A_375, %dma_wait3A_376] : memref<655360x128xf32, #tpu.memory_space<hbm>> -> memref<128x128xf32, #tpu.memory_space<hbm>>
        %dma_wait3A_378 = arith.constant 0 : i32
        %dma_wait3A_379 = arith.constant 0 : i32
        %dma_wait3A_380 = tpu.memref_slice %arg4[%dma_wait3A_378, %dma_wait3A_379] : memref<655360x128xf32, #tpu.memory_space<hbm>> -> memref<128x128xf32, #tpu.memory_space<hbm>>
        %dma_wait3A_381 = arith.constant 0 : i32
        %dma_wait3A_382 = arith.constant 0 : i32
        %dma_wait3A_383 = tpu.memref_slice %arg6[%dma_wait3A_370, %dma_wait3A_381, %dma_wait3A_382] : memref<5x128x128xf32, #tpu.memory_space<vmem>> -> memref<1x128x128xf32, #tpu.memory_space<vmem>>
        %dma_wait3A_384 = tpu.memref_squeeze %dma_wait3A_383 : memref<1x128x128xf32, #tpu.memory_space<vmem>> -> memref<128x128xf32, #tpu.memory_space<vmem>>
        tpu.wait_dma2 semaphore(%arg14 : memref<!tpu.dma_semaphore, #tpu.memory_space<semaphore_mem>>) src(%dma_wait3A_384 : memref<128x128xf32, #tpu.memory_space<vmem>>) dst(%dma_wait3A_380 : memref<128x128xf32, #tpu.memory_space<hbm>>)
        %add3A_385 = arith.constant 2 : i32
        %add3A_386 = arith.addi %add3A_309, %add3A_385 : i32
        %dma_start3A_387 = arith.constant 0 : i32
        %dma_start3A_388 = arith.constant 2 : i32
        %dma_start3A_389 = arith.constant 0 : i32
        %dma_start3A_390 = arith.constant 0 : i32
        %dma_start3A_391 = tpu.memref_slice %arg6[%dma_start3A_388, %dma_start3A_389, %dma_start3A_390] : memref<5x128x128xf32, #tpu.memory_space<vmem>> -> memref<1x128x128xf32, #tpu.memory_space<vmem>>
        %dma_start3A_392 = tpu.memref_squeeze %dma_start3A_391 : memref<1x128x128xf32, #tpu.memory_space<vmem>> -> memref<128x128xf32, #tpu.memory_space<vmem>>
        %dma_start3A_393 = arith.constant 0 : i32
        %dma_start3A_394 = tpu.memref_slice %arg5[%add3A_386, %dma_start3A_387, %dma_start3A_393] : memref<160x1x128xi32, #tpu.memory_space<vmem>> -> memref<1x1x128xi32, #tpu.memory_space<vmem>>
        %dma_start3A_395 = tpu.memref_squeeze %dma_start3A_394 : memref<1x1x128xi32, #tpu.memory_space<vmem>> -> memref<128xi32, #tpu.memory_space<vmem>>
        %dma_start3A_396 = arith.constant 0 : i32
        %dma_start3A_397 = arith.constant 0 : i32
        %dma_start3A_398 = tpu.memref_slice %arg2[%dma_start3A_396, %dma_start3A_397] : memref<4000x128xf32, #tpu.memory_space<hbm>> -> memref<4000x128xf32, #tpu.memory_space<hbm>>
        tpu.enqueue_indirect_dma source(%dma_start3A_398 : memref<4000x128xf32, #tpu.memory_space<hbm>>) target(%dma_start3A_392 : memref<128x128xf32, #tpu.memory_space<vmem>>) offsets(%dma_start3A_395 : memref<128xi32, #tpu.memory_space<vmem>>) semaphore(%arg9 : memref<!tpu.dma_semaphore, #tpu.memory_space<semaphore_mem>>)
        %dma_wait3A_399 = arith.constant 3 : i32
        %dma_wait3A_400 = arith.constant 0 : i32
        %dma_wait3A_401 = arith.constant 0 : i32
        %dma_wait3A_402 = tpu.memref_slice %arg6[%dma_wait3A_399, %dma_wait3A_400, %dma_wait3A_401] : memref<5x128x128xf32, #tpu.memory_space<vmem>> -> memref<1x128x128xf32, #tpu.memory_space<vmem>>
        %dma_wait3A_403 = tpu.memref_squeeze %dma_wait3A_402 : memref<1x128x128xf32, #tpu.memory_space<vmem>> -> memref<128x128xf32, #tpu.memory_space<vmem>>
        %dma_wait3A_404 = arith.constant 0 : i32
        %dma_wait3A_405 = arith.constant 0 : i32
        %dma_wait3A_406 = tpu.memref_slice %arg4[%dma_wait3A_404, %dma_wait3A_405] : memref<655360x128xf32, #tpu.memory_space<hbm>> -> memref<128x128xf32, #tpu.memory_space<hbm>>
        %dma_wait3A_407 = arith.constant 0 : i32
        %dma_wait3A_408 = arith.constant 0 : i32
        %dma_wait3A_409 = tpu.memref_slice %arg4[%dma_wait3A_407, %dma_wait3A_408] : memref<655360x128xf32, #tpu.memory_space<hbm>> -> memref<128x128xf32, #tpu.memory_space<hbm>>
        %dma_wait3A_410 = arith.constant 0 : i32
        %dma_wait3A_411 = arith.constant 0 : i32
        %dma_wait3A_412 = tpu.memref_slice %arg6[%dma_wait3A_399, %dma_wait3A_410, %dma_wait3A_411] : memref<5x128x128xf32, #tpu.memory_space<vmem>> -> memref<1x128x128xf32, #tpu.memory_space<vmem>>
        %dma_wait3A_413 = tpu.memref_squeeze %dma_wait3A_412 : memref<1x128x128xf32, #tpu.memory_space<vmem>> -> memref<128x128xf32, #tpu.memory_space<vmem>>
        tpu.wait_dma2 semaphore(%arg15 : memref<!tpu.dma_semaphore, #tpu.memory_space<semaphore_mem>>) src(%dma_wait3A_413 : memref<128x128xf32, #tpu.memory_space<vmem>>) dst(%dma_wait3A_409 : memref<128x128xf32, #tpu.memory_space<hbm>>)
        %add3A_414 = arith.constant 3 : i32
        %add3A_415 = arith.addi %add3A_309, %add3A_414 : i32
        %dma_start3A_416 = arith.constant 0 : i32
        %dma_start3A_417 = arith.constant 3 : i32
        %dma_start3A_418 = arith.constant 0 : i32
        %dma_start3A_419 = arith.constant 0 : i32
        %dma_start3A_420 = tpu.memref_slice %arg6[%dma_start3A_417, %dma_start3A_418, %dma_start3A_419] : memref<5x128x128xf32, #tpu.memory_space<vmem>> -> memref<1x128x128xf32, #tpu.memory_space<vmem>>
        %dma_start3A_421 = tpu.memref_squeeze %dma_start3A_420 : memref<1x128x128xf32, #tpu.memory_space<vmem>> -> memref<128x128xf32, #tpu.memory_space<vmem>>
        %dma_start3A_422 = arith.constant 0 : i32
        %dma_start3A_423 = tpu.memref_slice %arg5[%add3A_415, %dma_start3A_416, %dma_start3A_422] : memref<160x1x128xi32, #tpu.memory_space<vmem>> -> memref<1x1x128xi32, #tpu.memory_space<vmem>>
        %dma_start3A_424 = tpu.memref_squeeze %dma_start3A_423 : memref<1x1x128xi32, #tpu.memory_space<vmem>> -> memref<128xi32, #tpu.memory_space<vmem>>
        %dma_start3A_425 = arith.constant 0 : i32
        %dma_start3A_426 = arith.constant 0 : i32
        %dma_start3A_427 = tpu.memref_slice %arg2[%dma_start3A_425, %dma_start3A_426] : memref<4000x128xf32, #tpu.memory_space<hbm>> -> memref<4000x128xf32, #tpu.memory_space<hbm>>
        tpu.enqueue_indirect_dma source(%dma_start3A_427 : memref<4000x128xf32, #tpu.memory_space<hbm>>) target(%dma_start3A_421 : memref<128x128xf32, #tpu.memory_space<vmem>>) offsets(%dma_start3A_424 : memref<128xi32, #tpu.memory_space<vmem>>) semaphore(%arg10 : memref<!tpu.dma_semaphore, #tpu.memory_space<semaphore_mem>>)
        %dma_wait3A_428 = arith.constant 4 : i32
        %dma_wait3A_429 = arith.constant 0 : i32
        %dma_wait3A_430 = arith.constant 0 : i32
        %dma_wait3A_431 = tpu.memref_slice %arg6[%dma_wait3A_428, %dma_wait3A_429, %dma_wait3A_430] : memref<5x128x128xf32, #tpu.memory_space<vmem>> -> memref<1x128x128xf32, #tpu.memory_space<vmem>>
        %dma_wait3A_432 = tpu.memref_squeeze %dma_wait3A_431 : memref<1x128x128xf32, #tpu.memory_space<vmem>> -> memref<128x128xf32, #tpu.memory_space<vmem>>
        %dma_wait3A_433 = arith.constant 0 : i32
        %dma_wait3A_434 = arith.constant 0 : i32
        %dma_wait3A_435 = tpu.memref_slice %arg4[%dma_wait3A_433, %dma_wait3A_434] : memref<655360x128xf32, #tpu.memory_space<hbm>> -> memref<128x128xf32, #tpu.memory_space<hbm>>
        %dma_wait3A_436 = arith.constant 0 : i32
        %dma_wait3A_437 = arith.constant 0 : i32
        %dma_wait3A_438 = tpu.memref_slice %arg4[%dma_wait3A_436, %dma_wait3A_437] : memref<655360x128xf32, #tpu.memory_space<hbm>> -> memref<128x128xf32, #tpu.memory_space<hbm>>
        %dma_wait3A_439 = arith.constant 0 : i32
        %dma_wait3A_440 = arith.constant 0 : i32
        %dma_wait3A_441 = tpu.memref_slice %arg6[%dma_wait3A_428, %dma_wait3A_439, %dma_wait3A_440] : memref<5x128x128xf32, #tpu.memory_space<vmem>> -> memref<1x128x128xf32, #tpu.memory_space<vmem>>
        %dma_wait3A_442 = tpu.memref_squeeze %dma_wait3A_441 : memref<1x128x128xf32, #tpu.memory_space<vmem>> -> memref<128x128xf32, #tpu.memory_space<vmem>>
        tpu.wait_dma2 semaphore(%arg16 : memref<!tpu.dma_semaphore, #tpu.memory_space<semaphore_mem>>) src(%dma_wait3A_442 : memref<128x128xf32, #tpu.memory_space<vmem>>) dst(%dma_wait3A_438 : memref<128x128xf32, #tpu.memory_space<hbm>>)
        %add3A_443 = arith.constant 4 : i32
        %add3A_444 = arith.addi %add3A_309, %add3A_443 : i32
        %dma_start3A_445 = arith.constant 0 : i32
        %dma_start3A_446 = arith.constant 4 : i32
        %dma_start3A_447 = arith.constant 0 : i32
        %dma_start3A_448 = arith.constant 0 : i32
        %dma_start3A_449 = tpu.memref_slice %arg6[%dma_start3A_446, %dma_start3A_447, %dma_start3A_448] : memref<5x128x128xf32, #tpu.memory_space<vmem>> -> memref<1x128x128xf32, #tpu.memory_space<vmem>>
        %dma_start3A_450 = tpu.memref_squeeze %dma_start3A_449 : memref<1x128x128xf32, #tpu.memory_space<vmem>> -> memref<128x128xf32, #tpu.memory_space<vmem>>
        %dma_start3A_451 = arith.constant 0 : i32
        %dma_start3A_452 = tpu.memref_slice %arg5[%add3A_444, %dma_start3A_445, %dma_start3A_451] : memref<160x1x128xi32, #tpu.memory_space<vmem>> -> memref<1x1x128xi32, #tpu.memory_space<vmem>>
        %dma_start3A_453 = tpu.memref_squeeze %dma_start3A_452 : memref<1x1x128xi32, #tpu.memory_space<vmem>> -> memref<128xi32, #tpu.memory_space<vmem>>
        %dma_start3A_454 = arith.constant 0 : i32
        %dma_start3A_455 = arith.constant 0 : i32
        %dma_start3A_456 = tpu.memref_slice %arg2[%dma_start3A_454, %dma_start3A_455] : memref<4000x128xf32, #tpu.memory_space<hbm>> -> memref<4000x128xf32, #tpu.memory_space<hbm>>
        tpu.enqueue_indirect_dma source(%dma_start3A_456 : memref<4000x128xf32, #tpu.memory_space<hbm>>) target(%dma_start3A_450 : memref<128x128xf32, #tpu.memory_space<vmem>>) offsets(%dma_start3A_453 : memref<128xi32, #tpu.memory_space<vmem>>) semaphore(%arg11 : memref<!tpu.dma_semaphore, #tpu.memory_space<semaphore_mem>>)
      } else {
      }
    }
    %scan3A_70 = arith.constant 32 : i32
    %dma_wait3A = arith.constant 0 : i32
    %dma_wait3A_71 = arith.constant 0 : i32
    %dma_wait3A_72 = arith.constant 0 : i32
    %dma_wait3A_73 = tpu.memref_slice %arg6[%dma_wait3A, %dma_wait3A_71, %dma_wait3A_72] : memref<5x128x128xf32, #tpu.memory_space<vmem>> -> memref<1x128x128xf32, #tpu.memory_space<vmem>>
    %dma_wait3A_74 = tpu.memref_squeeze %dma_wait3A_73 : memref<1x128x128xf32, #tpu.memory_space<vmem>> -> memref<128x128xf32, #tpu.memory_space<vmem>>
    %dma_wait3A_75 = arith.constant 0 : i32
    %dma_wait3A_76 = arith.constant 0 : i32
    %dma_wait3A_77 = tpu.memref_slice %arg4[%dma_wait3A_75, %dma_wait3A_76] : memref<655360x128xf32, #tpu.memory_space<hbm>> -> memref<128x128xf32, #tpu.memory_space<hbm>>
    %dma_wait3A_78 = arith.constant 0 : i32
    %dma_wait3A_79 = arith.constant 0 : i32
    %dma_wait3A_80 = tpu.memref_slice %arg4[%dma_wait3A_78, %dma_wait3A_79] : memref<655360x128xf32, #tpu.memory_space<hbm>> -> memref<128x128xf32, #tpu.memory_space<hbm>>
    %dma_wait3A_81 = arith.constant 0 : i32
    %dma_wait3A_82 = arith.constant 0 : i32
    %dma_wait3A_83 = tpu.memref_slice %arg6[%dma_wait3A, %dma_wait3A_81, %dma_wait3A_82] : memref<5x128x128xf32, #tpu.memory_space<vmem>> -> memref<1x128x128xf32, #tpu.memory_space<vmem>>
    %dma_wait3A_84 = tpu.memref_squeeze %dma_wait3A_83 : memref<1x128x128xf32, #tpu.memory_space<vmem>> -> memref<128x128xf32, #tpu.memory_space<vmem>>
    tpu.wait_dma2 semaphore(%arg12 : memref<!tpu.dma_semaphore, #tpu.memory_space<semaphore_mem>>) src(%dma_wait3A_84 : memref<128x128xf32, #tpu.memory_space<vmem>>) dst(%dma_wait3A_80 : memref<128x128xf32, #tpu.memory_space<hbm>>)
    %dma_wait3A_85 = arith.constant 1 : i32
    %dma_wait3A_86 = arith.constant 0 : i32
    %dma_wait3A_87 = arith.constant 0 : i32
    %dma_wait3A_88 = tpu.memref_slice %arg6[%dma_wait3A_85, %dma_wait3A_86, %dma_wait3A_87] : memref<5x128x128xf32, #tpu.memory_space<vmem>> -> memref<1x128x128xf32, #tpu.memory_space<vmem>>
    %dma_wait3A_89 = tpu.memref_squeeze %dma_wait3A_88 : memref<1x128x128xf32, #tpu.memory_space<vmem>> -> memref<128x128xf32, #tpu.memory_space<vmem>>
    %dma_wait3A_90 = arith.constant 0 : i32
    %dma_wait3A_91 = arith.constant 0 : i32
    %dma_wait3A_92 = tpu.memref_slice %arg4[%dma_wait3A_90, %dma_wait3A_91] : memref<655360x128xf32, #tpu.memory_space<hbm>> -> memref<128x128xf32, #tpu.memory_space<hbm>>
    %dma_wait3A_93 = arith.constant 0 : i32
    %dma_wait3A_94 = arith.constant 0 : i32
    %dma_wait3A_95 = tpu.memref_slice %arg4[%dma_wait3A_93, %dma_wait3A_94] : memref<655360x128xf32, #tpu.memory_space<hbm>> -> memref<128x128xf32, #tpu.memory_space<hbm>>
    %dma_wait3A_96 = arith.constant 0 : i32
    %dma_wait3A_97 = arith.constant 0 : i32
    %dma_wait3A_98 = tpu.memref_slice %arg6[%dma_wait3A_85, %dma_wait3A_96, %dma_wait3A_97] : memref<5x128x128xf32, #tpu.memory_space<vmem>> -> memref<1x128x128xf32, #tpu.memory_space<vmem>>
    %dma_wait3A_99 = tpu.memref_squeeze %dma_wait3A_98 : memref<1x128x128xf32, #tpu.memory_space<vmem>> -> memref<128x128xf32, #tpu.memory_space<vmem>>
    tpu.wait_dma2 semaphore(%arg13 : memref<!tpu.dma_semaphore, #tpu.memory_space<semaphore_mem>>) src(%dma_wait3A_99 : memref<128x128xf32, #tpu.memory_space<vmem>>) dst(%dma_wait3A_95 : memref<128x128xf32, #tpu.memory_space<hbm>>)
    %dma_wait3A_100 = arith.constant 2 : i32
    %dma_wait3A_101 = arith.constant 0 : i32
    %dma_wait3A_102 = arith.constant 0 : i32
    %dma_wait3A_103 = tpu.memref_slice %arg6[%dma_wait3A_100, %dma_wait3A_101, %dma_wait3A_102] : memref<5x128x128xf32, #tpu.memory_space<vmem>> -> memref<1x128x128xf32, #tpu.memory_space<vmem>>
    %dma_wait3A_104 = tpu.memref_squeeze %dma_wait3A_103 : memref<1x128x128xf32, #tpu.memory_space<vmem>> -> memref<128x128xf32, #tpu.memory_space<vmem>>
    %dma_wait3A_105 = arith.constant 0 : i32
    %dma_wait3A_106 = arith.constant 0 : i32
    %dma_wait3A_107 = tpu.memref_slice %arg4[%dma_wait3A_105, %dma_wait3A_106] : memref<655360x128xf32, #tpu.memory_space<hbm>> -> memref<128x128xf32, #tpu.memory_space<hbm>>
    %dma_wait3A_108 = arith.constant 0 : i32
    %dma_wait3A_109 = arith.constant 0 : i32
    %dma_wait3A_110 = tpu.memref_slice %arg4[%dma_wait3A_108, %dma_wait3A_109] : memref<655360x128xf32, #tpu.memory_space<hbm>> -> memref<128x128xf32, #tpu.memory_space<hbm>>
    %dma_wait3A_111 = arith.constant 0 : i32
    %dma_wait3A_112 = arith.constant 0 : i32
    %dma_wait3A_113 = tpu.memref_slice %arg6[%dma_wait3A_100, %dma_wait3A_111, %dma_wait3A_112] : memref<5x128x128xf32, #tpu.memory_space<vmem>> -> memref<1x128x128xf32, #tpu.memory_space<vmem>>
    %dma_wait3A_114 = tpu.memref_squeeze %dma_wait3A_113 : memref<1x128x128xf32, #tpu.memory_space<vmem>> -> memref<128x128xf32, #tpu.memory_space<vmem>>
    tpu.wait_dma2 semaphore(%arg14 : memref<!tpu.dma_semaphore, #tpu.memory_space<semaphore_mem>>) src(%dma_wait3A_114 : memref<128x128xf32, #tpu.memory_space<vmem>>) dst(%dma_wait3A_110 : memref<128x128xf32, #tpu.memory_space<hbm>>)
    %dma_wait3A_115 = arith.constant 3 : i32
    %dma_wait3A_116 = arith.constant 0 : i32
    %dma_wait3A_117 = arith.constant 0 : i32
    %dma_wait3A_118 = tpu.memref_slice %arg6[%dma_wait3A_115, %dma_wait3A_116, %dma_wait3A_117] : memref<5x128x128xf32, #tpu.memory_space<vmem>> -> memref<1x128x128xf32, #tpu.memory_space<vmem>>
    %dma_wait3A_119 = tpu.memref_squeeze %dma_wait3A_118 : memref<1x128x128xf32, #tpu.memory_space<vmem>> -> memref<128x128xf32, #tpu.memory_space<vmem>>
    %dma_wait3A_120 = arith.constant 0 : i32
    %dma_wait3A_121 = arith.constant 0 : i32
    %dma_wait3A_122 = tpu.memref_slice %arg4[%dma_wait3A_120, %dma_wait3A_121] : memref<655360x128xf32, #tpu.memory_space<hbm>> -> memref<128x128xf32, #tpu.memory_space<hbm>>
    %dma_wait3A_123 = arith.constant 0 : i32
    %dma_wait3A_124 = arith.constant 0 : i32
    %dma_wait3A_125 = tpu.memref_slice %arg4[%dma_wait3A_123, %dma_wait3A_124] : memref<655360x128xf32, #tpu.memory_space<hbm>> -> memref<128x128xf32, #tpu.memory_space<hbm>>
    %dma_wait3A_126 = arith.constant 0 : i32
    %dma_wait3A_127 = arith.constant 0 : i32
    %dma_wait3A_128 = tpu.memref_slice %arg6[%dma_wait3A_115, %dma_wait3A_126, %dma_wait3A_127] : memref<5x128x128xf32, #tpu.memory_space<vmem>> -> memref<1x128x128xf32, #tpu.memory_space<vmem>>
    %dma_wait3A_129 = tpu.memref_squeeze %dma_wait3A_128 : memref<1x128x128xf32, #tpu.memory_space<vmem>> -> memref<128x128xf32, #tpu.memory_space<vmem>>
    tpu.wait_dma2 semaphore(%arg15 : memref<!tpu.dma_semaphore, #tpu.memory_space<semaphore_mem>>) src(%dma_wait3A_129 : memref<128x128xf32, #tpu.memory_space<vmem>>) dst(%dma_wait3A_125 : memref<128x128xf32, #tpu.memory_space<hbm>>)
    %dma_wait3A_130 = arith.constant 4 : i32
    %dma_wait3A_131 = arith.constant 0 : i32
    %dma_wait3A_132 = arith.constant 0 : i32
    %dma_wait3A_133 = tpu.memref_slice %arg6[%dma_wait3A_130, %dma_wait3A_131, %dma_wait3A_132] : memref<5x128x128xf32, #tpu.memory_space<vmem>> -> memref<1x128x128xf32, #tpu.memory_space<vmem>>
    %dma_wait3A_134 = tpu.memref_squeeze %dma_wait3A_133 : memref<1x128x128xf32, #tpu.memory_space<vmem>> -> memref<128x128xf32, #tpu.memory_space<vmem>>
    %dma_wait3A_135 = arith.constant 0 : i32
    %dma_wait3A_136 = arith.constant 0 : i32
    %dma_wait3A_137 = tpu.memref_slice %arg4[%dma_wait3A_135, %dma_wait3A_136] : memref<655360x128xf32, #tpu.memory_space<hbm>> -> memref<128x128xf32, #tpu.memory_space<hbm>>
    %dma_wait3A_138 = arith.constant 0 : i32
    %dma_wait3A_139 = arith.constant 0 : i32
    %dma_wait3A_140 = tpu.memref_slice %arg4[%dma_wait3A_138, %dma_wait3A_139] : memref<655360x128xf32, #tpu.memory_space<hbm>> -> memref<128x128xf32, #tpu.memory_space<hbm>>
    %dma_wait3A_141 = arith.constant 0 : i32
    %dma_wait3A_142 = arith.constant 0 : i32
    %dma_wait3A_143 = tpu.memref_slice %arg6[%dma_wait3A_130, %dma_wait3A_141, %dma_wait3A_142] : memref<5x128x128xf32, #tpu.memory_space<vmem>> -> memref<1x128x128xf32, #tpu.memory_space<vmem>>
    %dma_wait3A_144 = tpu.memref_squeeze %dma_wait3A_143 : memref<1x128x128xf32, #tpu.memory_space<vmem>> -> memref<128x128xf32, #tpu.memory_space<vmem>>
    tpu.wait_dma2 semaphore(%arg16 : memref<!tpu.dma_semaphore, #tpu.memory_space<semaphore_mem>>) src(%dma_wait3A_144 : memref<128x128xf32, #tpu.memory_space<vmem>>) dst(%dma_wait3A_140 : memref<128x128xf32, #tpu.memory_space<hbm>>)
    return
  }
}

module attributes {stable_mosaic.version = 14 : i64} {
  func.func @_in2f_body(%arg0: memref<4000x128xf32, #tpu.memory_space<vmem>>, %arg1: memref<128x128xf32, #tpu.memory_space<vmem>>, %arg2: memref<4x640x128xi32, #tpu.memory_space<vmem>>, %arg3: memref<4x640x128xi32, #tpu.memory_space<vmem>>, %arg4: memref<4000x128xf32, #tpu.memory_space<vmem>>, %arg5: memref<4000x128xbf16, #tpu.memory_space<vmem>>, %arg6: memref<5120x1x128xi32, #tpu.memory_space<vmem>>) attributes {dimension_semantics = [], scalar_prefetch = 0 : i64, scratch_operands = 0 : i64, tpu.core_type = #tpu.core_type<tc>} {
    %get3A = arith.constant 0 : index
    %get3A_0 = arith.constant 0 : index
    %get3A_1 = vector.load %arg0[%get3A, %get3A_0] : memref<4000x128xf32, #tpu.memory_space<vmem>>, vector<4000x128xf32>
    %get3A_2 = arith.constant 0 : index
    %get3A_3 = arith.constant 0 : index
    %get3A_4 = vector.load %arg1[%get3A_2, %get3A_3] : memref<128x128xf32, #tpu.memory_space<vmem>>, vector<128x128xf32>
    %dot_general3A = arith.constant dense<0.000000e+00> : vector<4000x128xf32>
    %dot_general3A_5 = tpu.matmul %get3A_1, %get3A_4, %dot_general3A {dimension_numbers = #tpu.dot_dimension_numbers<[1], [0], [0], [1], [0, 0, 1, 1], [], []>, transpose_lhs_hint = false} : vector<4000x128xf32>, vector<128x128xf32>, vector<4000x128xf32> -> vector<4000x128xf32>
    %swap3A = arith.constant 0 : index
    %swap3A_6 = arith.constant 0 : index
    %swap3A_7 = vector.load %arg4[%swap3A, %swap3A_6] : memref<4000x128xf32, #tpu.memory_space<vmem>>, vector<4000x128xf32>
    tpu.vector_store %arg4[%swap3A, %swap3A_6], %dot_general3A_5 {strides = array<i32>} : memref<4000x128xf32, #tpu.memory_space<vmem>>, vector<4000x128xf32>,
    %convert_element_type3A = arith.truncf %dot_general3A_5 : vector<4000x128xf32> to vector<4000x128xbf16>
    %swap3A_8 = arith.constant 0 : index
    %swap3A_9 = arith.constant 0 : index
    %swap3A_10 = vector.load %arg5[%swap3A_8, %swap3A_9] : memref<4000x128xbf16, #tpu.memory_space<vmem>>, vector<4000x128xbf16>
    tpu.vector_store %arg5[%swap3A_8, %swap3A_9], %convert_element_type3A {strides = array<i32>} : memref<4000x128xbf16, #tpu.memory_space<vmem>>, vector<4000x128xbf16>,
    %iota3A = tpu.iota {dimensions = array<i32: 0>} : vector<4x640x128xi32>
    %mul3A = arith.constant 1000 : i32
    %mul3A_11 = vector.broadcast %mul3A : i32 to vector<4x640x128xi32>
    %mul3A_12 = arith.muli %iota3A, %mul3A_11 : vector<4x640x128xi32>
    %get3A_13 = arith.constant 0 : index
    %get3A_14 = arith.constant 0 : index
    %get3A_15 = arith.constant 0 : index
    %get3A_16 = vector.load %arg2[%get3A_13, %get3A_14, %get3A_15] : memref<4x640x128xi32, #tpu.memory_space<vmem>>, vector<4x640x128xi32>
    %add3A = arith.addi %get3A_16, %mul3A_12 : vector<4x640x128xi32>
    %reshape3A = vector.shape_cast %add3A : vector<4x640x128xi32> to vector<2560x128xi32>
    %swap3A_17 = arith.constant 0 : index
    %swap3A_18 = arith.constant 0 : index
    %swap3A_19 = arith.constant 0 : index
    %swap3A_20 = vector.load %arg6[%swap3A_17, %swap3A_18, %swap3A_19] : memref<5120x1x128xi32, #tpu.memory_space<vmem>>, vector<2560x1x128xi32>
    %swap3A_21 = vector.shape_cast %swap3A_20 : vector<2560x1x128xi32> to vector<2560x128xi32>
    %swap3A_22 = vector.shape_cast %reshape3A : vector<2560x128xi32> to vector<2560x1x128xi32>
    tpu.vector_store %arg6[%swap3A_17, %swap3A_18, %swap3A_19], %swap3A_22 {strides = array<i32>} : memref<5120x1x128xi32, #tpu.memory_space<vmem>>, vector<2560x1x128xi32>,
    %get3A_23 = arith.constant 0 : index
    %get3A_24 = arith.constant 0 : index
    %get3A_25 = arith.constant 0 : index
    %get3A_26 = vector.load %arg3[%get3A_23, %get3A_24, %get3A_25] : memref<4x640x128xi32, #tpu.memory_space<vmem>>, vector<4x640x128xi32>
    %add3A_27 = arith.addi %get3A_26, %mul3A_12 : vector<4x640x128xi32>
    %reshape3A_28 = vector.shape_cast %add3A_27 : vector<4x640x128xi32> to vector<2560x128xi32>
    %swap3A_29 = arith.constant 2560 : index
    %swap3A_30 = arith.constant 0 : index
    %swap3A_31 = arith.constant 0 : index
    %swap3A_32 = vector.load %arg6[%swap3A_29, %swap3A_30, %swap3A_31] : memref<5120x1x128xi32, #tpu.memory_space<vmem>>, vector<2560x1x128xi32>
    %swap3A_33 = vector.shape_cast %swap3A_32 : vector<2560x1x128xi32> to vector<2560x128xi32>
    %swap3A_34 = vector.shape_cast %reshape3A_28 : vector<2560x128xi32> to vector<2560x1x128xi32>
    tpu.vector_store %arg6[%swap3A_29, %swap3A_30, %swap3A_31], %swap3A_34 {strides = array<i32>} : memref<5120x1x128xi32, #tpu.memory_space<vmem>>, vector<2560x1x128xi32>,
    return
  }
}

module attributes {stable_mosaic.version = 14 : i64} {
  func.func @_assist_body(%arg0: i32, %arg1: i32, %arg2: memref<1x1000x128xbf16, #tpu.memory_space<vmem>>, %arg3: memref<1x8x128xi32, #tpu.memory_space<vmem>>, %arg4: memref<1x8x128xi32, #tpu.memory_space<vmem>>, %arg5: memref<1x8x128xf32, #tpu.memory_space<vmem>>, %arg6: memref<1x8x128xf32, #tpu.memory_space<vmem>>, %arg7: memref<1x8x128xf32, #tpu.memory_space<vmem>>, %arg8: memref<1x8x128x20xf32, #tpu.memory_space<vmem>>, %arg9: memref<20x128xf32, #tpu.memory_space<vmem>>, %arg10: memref<1x128xf32, #tpu.memory_space<vmem>>, %arg11: memref<128x128xf32, #tpu.memory_space<vmem>>, %arg12: memref<1x128xf32, #tpu.memory_space<vmem>>, %arg13: memref<1x8x128xf32, #tpu.memory_space<vmem>>) attributes {dimension_semantics = [#tpu.dimension_semantics<parallel>, #tpu.dimension_semantics<parallel>], iteration_bounds = array<i64: 4, 45>, scalar_prefetch = 0 : i64, scratch_operands = 0 : i64, tpu.core_type = #tpu.core_type<tc>, window_params = [{transform_indices = @transform_0, window_bounds = array<i64: 1, 1000, 128>}, {transform_indices = @transform_1, window_bounds = array<i64: 1, 8, 128>}, {transform_indices = @transform_2, window_bounds = array<i64: 1, 8, 128>}, {transform_indices = @transform_3, window_bounds = array<i64: 1, 8, 128>}, {transform_indices = @transform_4, window_bounds = array<i64: 1, 8, 128>}, {transform_indices = @transform_5, window_bounds = array<i64: 1, 8, 128>}, {transform_indices = @transform_6, window_bounds = array<i64: 1, 8, 128, 20>}, {pipeline_mode = #tpu.pipeline_mode<synchronous>, transform_indices = @transform_7, window_bounds = array<i64: 20, 128>}, {pipeline_mode = #tpu.pipeline_mode<synchronous>, transform_indices = @transform_8, window_bounds = array<i64: 1, 128>}, {pipeline_mode = #tpu.pipeline_mode<synchronous>, transform_indices = @transform_9, window_bounds = array<i64: 128, 128>}, {pipeline_mode = #tpu.pipeline_mode<synchronous>, transform_indices = @transform_10, window_bounds = array<i64: 1, 128>}, {transform_indices = @transform_11, window_bounds = array<i64: 1, 8, 128>}]} {
    %get3A = arith.constant 0 : index
    %get3A_0 = arith.constant 0 : index
    %get3A_1 = arith.constant 0 : index
    %get3A_2 = vector.load %arg5[%get3A, %get3A_0, %get3A_1] : memref<1x8x128xf32, #tpu.memory_space<vmem>>, vector<1x8x128xf32>
    %get3A_3 = vector.shape_cast %get3A_2 : vector<1x8x128xf32> to vector<8x128xf32>
    %get3A_4 = arith.constant 0 : index
    %get3A_5 = arith.constant 0 : index
    %get3A_6 = arith.constant 0 : index
    %get3A_7 = vector.load %arg6[%get3A_4, %get3A_5, %get3A_6] : memref<1x8x128xf32, #tpu.memory_space<vmem>>, vector<1x8x128xf32>
    %get3A_8 = vector.shape_cast %get3A_7 : vector<1x8x128xf32> to vector<8x128xf32>
    %get3A_9 = arith.constant 0 : index
    %get3A_10 = arith.constant 0 : index
    %get3A_11 = arith.constant 0 : index
    %get3A_12 = vector.load %arg7[%get3A_9, %get3A_10, %get3A_11] : memref<1x8x128xf32, #tpu.memory_space<vmem>>, vector<1x8x128xf32>
    %get3A_13 = vector.shape_cast %get3A_12 : vector<1x8x128xf32> to vector<8x128xf32>
    %add3A = arith.addf %get3A_3, %get3A_8 : vector<8x128xf32>
    %div3A = arith.divf %get3A_13, %add3A : vector<8x128xf32>
    %mul3A = arith.mulf %get3A_3, %div3A : vector<8x128xf32>
    %broadcast_in_dim3A = vector.shape_cast %mul3A : vector<8x128xf32> to vector<8x128x1xf32>
    %convert_element_type3A = arith.truncf %broadcast_in_dim3A : vector<8x128x1xf32> to vector<8x128x1xbf16>
    %mul3A_14 = arith.mulf %get3A_8, %div3A : vector<8x128xf32>
    %broadcast_in_dim3A_15 = vector.shape_cast %mul3A_14 : vector<8x128xf32> to vector<8x128x1xf32>
    %convert_element_type3A_16 = arith.truncf %broadcast_in_dim3A_15 : vector<8x128x1xf32> to vector<8x128x1xbf16>
    %get3A_17 = arith.constant 0 : index
    %get3A_18 = arith.constant 0 : index
    %get3A_19 = arith.constant 0 : index
    %get3A_20 = vector.load %arg3[%get3A_17, %get3A_18, %get3A_19] : memref<1x8x128xi32, #tpu.memory_space<vmem>>, vector<1x8x128xi32>
    %get3A_21 = vector.shape_cast %get3A_20 : vector<1x8x128xi32> to vector<8x128xi32>
    %broadcast_in_dim3A_22 = vector.shape_cast %get3A_21 : vector<8x128xi32> to vector<8x128x1xi32>
    %convert_element_type3A_23 = arith.trunci %broadcast_in_dim3A_22 : vector<8x128x1xi32> to vector<8x128x1xi16>
    %get3A_24 = arith.constant 0 : index
    %get3A_25 = arith.constant 0 : index
    %get3A_26 = arith.constant 0 : index
    %get3A_27 = vector.load %arg4[%get3A_24, %get3A_25, %get3A_26] : memref<1x8x128xi32, #tpu.memory_space<vmem>>, vector<1x8x128xi32>
    %get3A_28 = vector.shape_cast %get3A_27 : vector<1x8x128xi32> to vector<8x128xi32>
    %broadcast_in_dim3A_29 = vector.shape_cast %get3A_28 : vector<8x128xi32> to vector<8x128x1xi32>
    %convert_element_type3A_30 = arith.trunci %broadcast_in_dim3A_29 : vector<8x128x1xi32> to vector<8x128x1xi16>
    %iota3A = tpu.iota {dimensions = array<i32: 2>} : vector<1x1x1000xi16>
    %eq3A = vector.broadcast %convert_element_type3A_23 : vector<8x128x1xi16> to vector<8x128x1000xi16>
    %eq3A_31 = vector.broadcast %iota3A : vector<1x1x1000xi16> to vector<8x128x1000xi16>
    %eq3A_32 = arith.cmpi eq, %eq3A, %eq3A_31 : vector<8x128x1000xi16>
    %jit3A = arith.constant 0.000000e+00 : bf16
    %broadcast_in_dim3A_33 = vector.shape_cast %convert_element_type3A : vector<8x128x1xbf16> to vector<8x128x1xbf16>
    %broadcast_in_dim3A_34 = vector.broadcast %broadcast_in_dim3A_33 : vector<8x128x1xbf16> to vector<8x128x1000xbf16>
    %broadcast_in_dim3A_35 = vector.broadcast %jit3A : bf16 to vector<8x128x1000xbf16>
    %select_n3A = arith.select %eq3A_32, %broadcast_in_dim3A_34, %broadcast_in_dim3A_35 : vector<8x128x1000xi1>, vector<8x128x1000xbf16>
    %eq3A_36 = vector.broadcast %convert_element_type3A_30 : vector<8x128x1xi16> to vector<8x128x1000xi16>
    %eq3A_37 = vector.broadcast %iota3A : vector<1x1x1000xi16> to vector<8x128x1000xi16>
    %eq3A_38 = arith.cmpi eq, %eq3A_36, %eq3A_37 : vector<8x128x1000xi16>
    %jit3A_39 = arith.constant 0.000000e+00 : bf16
    %broadcast_in_dim3A_40 = vector.shape_cast %convert_element_type3A_16 : vector<8x128x1xbf16> to vector<8x128x1xbf16>
    %broadcast_in_dim3A_41 = vector.broadcast %broadcast_in_dim3A_40 : vector<8x128x1xbf16> to vector<8x128x1000xbf16>
    %broadcast_in_dim3A_42 = vector.broadcast %jit3A_39 : bf16 to vector<8x128x1000xbf16>
    %select_n3A_43 = arith.select %eq3A_38, %broadcast_in_dim3A_41, %broadcast_in_dim3A_42 : vector<8x128x1000xi1>, vector<8x128x1000xbf16>
    %add3A_44 = arith.addf %select_n3A, %select_n3A_43 : vector<8x128x1000xbf16>
    %reshape3A = vector.shape_cast %add3A_44 : vector<8x128x1000xbf16> to vector<1024x1000xbf16>
    %get3A_45 = arith.constant 0 : index
    %get3A_46 = arith.constant 0 : index
    %get3A_47 = arith.constant 0 : index
    %get3A_48 = vector.load %arg2[%get3A_45, %get3A_46, %get3A_47] : memref<1x1000x128xbf16, #tpu.memory_space<vmem>>, vector<1x1000x128xbf16>
    %get3A_49 = vector.shape_cast %get3A_48 : vector<1x1000x128xbf16> to vector<1000x128xbf16>
    %dot_general3A = arith.constant dense<0.000000e+00> : vector<1024x128xf32>
    %dot_general3A_50 = tpu.matmul %reshape3A, %get3A_49, %dot_general3A {dimension_numbers = #tpu.dot_dimension_numbers<[1], [0], [0], [1], [0, 0, 1, 1], [], []>, transpose_lhs_hint = false} : vector<1024x1000xbf16>, vector<1000x128xbf16>, vector<1024x128xf32> -> vector<1024x128xf32>
    %get3A_51 = arith.constant 0 : index
    %get3A_52 = arith.constant 0 : index
    %get3A_53 = arith.constant 0 : index
    %get3A_54 = arith.constant 0 : index
    %get3A_55 = vector.load %arg8[%get3A_51, %get3A_52, %get3A_53, %get3A_54] : memref<1x8x128x20xf32, #tpu.memory_space<vmem>>, vector<1x8x128x20xf32>
    %get3A_56 = vector.shape_cast %get3A_55 : vector<1x8x128x20xf32> to vector<8x128x20xf32>
    %reshape3A_57 = vector.shape_cast %get3A_56 : vector<8x128x20xf32> to vector<1024x20xf32>
    %get3A_58 = arith.constant 0 : index
    %get3A_59 = arith.constant 0 : index
    %get3A_60 = vector.load %arg9[%get3A_58, %get3A_59] : memref<20x128xf32, #tpu.memory_space<vmem>>, vector<20x128xf32>
    %dot_general3A_61 = arith.constant dense<0.000000e+00> : vector<1024x128xf32>
    %dot_general3A_62 = tpu.matmul %reshape3A_57, %get3A_60, %dot_general3A_61 {dimension_numbers = #tpu.dot_dimension_numbers<[1], [0], [0], [1], [0, 0, 1, 1], [], []>, transpose_lhs_hint = false} : vector<1024x20xf32>, vector<20x128xf32>, vector<1024x128xf32> -> vector<1024x128xf32>
    %get3A_63 = arith.constant 0 : index
    %get3A_64 = arith.constant 0 : index
    %get3A_65 = vector.load %arg10[%get3A_63, %get3A_64] : memref<1x128xf32, #tpu.memory_space<vmem>>, vector<1x128xf32>
    %get3A_66 = vector.shape_cast %get3A_65 : vector<1x128xf32> to vector<128xf32>
    %broadcast_in_dim3A_67 = vector.shape_cast %get3A_66 : vector<128xf32> to vector<1x128xf32>
    %add3A_68 = vector.broadcast %broadcast_in_dim3A_67 : vector<1x128xf32> to vector<1024x128xf32>
    %add3A_69 = arith.addf %dot_general3A_62, %add3A_68 : vector<1024x128xf32>
    %mul3A_70 = arith.mulf %add3A_69, %dot_general3A_50 : vector<1024x128xf32>
    %reshape3A_71 = vector.shape_cast %mul3A_70 : vector<1024x128xf32> to vector<8x128x128xf32>
    %reduce_sum3A = arith.constant dense<0.000000e+00> : vector<8x128xf32>
    %reduce_sum3A_72 = vector.multi_reduction <add>, %reshape3A_71, %reduce_sum3A [1] : vector<8x128x128xf32> to vector<8x128xf32>
    %get3A_73 = arith.constant 0 : index
    %get3A_74 = arith.constant 0 : index
    %get3A_75 = vector.load %arg11[%get3A_73, %get3A_74] : memref<128x128xf32, #tpu.memory_space<vmem>>, vector<128x128xf32>
    %dot_general3A_76 = arith.constant dense<0.000000e+00> : vector<8x128xf32>
    %dot_general3A_77 = tpu.matmul %reduce_sum3A_72, %get3A_75, %dot_general3A_76 {dimension_numbers = #tpu.dot_dimension_numbers<[1], [0], [0], [1], [0, 0, 1, 1], [], []>, transpose_lhs_hint = false} : vector<8x128xf32>, vector<128x128xf32>, vector<8x128xf32> -> vector<8x128xf32>
    %get3A_78 = arith.constant 0 : index
    %get3A_79 = arith.constant 0 : index
    %get3A_80 = vector.load %arg12[%get3A_78, %get3A_79] : memref<1x128xf32, #tpu.memory_space<vmem>>, vector<1x128xf32>
    %get3A_81 = vector.shape_cast %get3A_80 : vector<1x128xf32> to vector<128xf32>
    %broadcast_in_dim3A_82 = vector.shape_cast %get3A_81 : vector<128xf32> to vector<1x128xf32>
    %add3A_83 = vector.broadcast %broadcast_in_dim3A_82 : vector<1x128xf32> to vector<8x128xf32>
    %add3A_84 = arith.addf %dot_general3A_77, %add3A_83 : vector<8x128xf32>
    %swap3A = arith.constant 0 : index
    %swap3A_85 = arith.constant 0 : index
    %swap3A_86 = arith.constant 0 : index
    %swap3A_87 = vector.load %arg13[%swap3A, %swap3A_85, %swap3A_86] : memref<1x8x128xf32, #tpu.memory_space<vmem>>, vector<1x8x128xf32>
    %swap3A_88 = vector.shape_cast %swap3A_87 : vector<1x8x128xf32> to vector<8x128xf32>
    %swap3A_89 = vector.shape_cast %add3A_84 : vector<8x128xf32> to vector<1x8x128xf32>
    tpu.vector_store %arg13[%swap3A, %swap3A_85, %swap3A_86], %swap3A_89 {strides = array<i32>} : memref<1x8x128xf32, #tpu.memory_space<vmem>>, vector<1x8x128xf32>,
    return
  }
  func.func @transform_0(%arg0: i32, %arg1: i32) -> (i32, i32, i32) {
    %c0_i32 = arith.constant 0 : i32
    %c0_i32_0 = arith.constant 0 : i32
    %c0_i32_1 = arith.constant 0 : i32
    return %arg0, %c0_i32, %c0_i32_0 : i32, i32, i32
  }
  func.func @transform_1(%arg0: i32, %arg1: i32) -> (i32, i32, i32) {
    %add3A = arith.constant 80 : i32
    %add3A_0 = arith.addi %add3A, %arg1 : i32
    %c0_i32 = arith.constant 0 : i32
    %c0_i32_1 = arith.constant 0 : i32
    return %arg0, %add3A_0, %c0_i32 : i32, i32, i32
  }
  func.func @transform_2(%arg0: i32, %arg1: i32) -> (i32, i32, i32) {
    %add3A = arith.constant 80 : i32
    %add3A_0 = arith.addi %add3A, %arg1 : i32
    %c0_i32 = arith.constant 0 : i32
    %c0_i32_1 = arith.constant 0 : i32
    return %arg0, %add3A_0, %c0_i32 : i32, i32, i32
  }
  func.func @transform_3(%arg0: i32, %arg1: i32) -> (i32, i32, i32) {
    %add3A = arith.constant 80 : i32
    %add3A_0 = arith.addi %add3A, %arg1 : i32
    %c0_i32 = arith.constant 0 : i32
    %c0_i32_1 = arith.constant 0 : i32
    return %arg0, %add3A_0, %c0_i32 : i32, i32, i32
  }
  func.func @transform_4(%arg0: i32, %arg1: i32) -> (i32, i32, i32) {
    %add3A = arith.constant 80 : i32
    %add3A_0 = arith.addi %add3A, %arg1 : i32
    %c0_i32 = arith.constant 0 : i32
    %c0_i32_1 = arith.constant 0 : i32
    return %arg0, %add3A_0, %c0_i32 : i32, i32, i32
  }
  func.func @transform_5(%arg0: i32, %arg1: i32) -> (i32, i32, i32) {
    %add3A = arith.constant 80 : i32
    %add3A_0 = arith.addi %add3A, %arg1 : i32
    %c0_i32 = arith.constant 0 : i32
    %c0_i32_1 = arith.constant 0 : i32
    return %arg0, %add3A_0, %c0_i32 : i32, i32, i32
  }
  func.func @transform_6(%arg0: i32, %arg1: i32) -> (i32, i32, i32, i32) {
    %add3A = arith.constant 80 : i32
    %add3A_0 = arith.addi %add3A, %arg1 : i32
    %c0_i32 = arith.constant 0 : i32
    %c0_i32_1 = arith.constant 0 : i32
    %c0_i32_2 = arith.constant 0 : i32
    return %arg0, %add3A_0, %c0_i32, %c0_i32_1 : i32, i32, i32, i32
  }
  func.func @transform_7(%arg0: i32, %arg1: i32) -> (i32, i32) {
    %c0_i32 = arith.constant 0 : i32
    %c0_i32_0 = arith.constant 0 : i32
    %c0_i32_1 = arith.constant 0 : i32
    return %c0_i32, %c0_i32_0 : i32, i32
  }
  func.func @transform_8(%arg0: i32, %arg1: i32) -> (i32, i32) {
    %c0_i32 = arith.constant 0 : i32
    %c0_i32_0 = arith.constant 0 : i32
    %c0_i32_1 = arith.constant 0 : i32
    return %c0_i32, %c0_i32_0 : i32, i32
  }
  func.func @transform_9(%arg0: i32, %arg1: i32) -> (i32, i32) {
    %c0_i32 = arith.constant 0 : i32
    %c0_i32_0 = arith.constant 0 : i32
    %c0_i32_1 = arith.constant 0 : i32
    return %c0_i32, %c0_i32_0 : i32, i32
  }
  func.func @transform_10(%arg0: i32, %arg1: i32) -> (i32, i32) {
    %c0_i32 = arith.constant 0 : i32
    %c0_i32_0 = arith.constant 0 : i32
    %c0_i32_1 = arith.constant 0 : i32
    return %c0_i32, %c0_i32_0 : i32, i32
  }
  func.func @transform_11(%arg0: i32, %arg1: i32) -> (i32, i32, i32) {
    %c0_i32 = arith.constant 0 : i32
    %c0_i32_0 = arith.constant 0 : i32
    return %arg0, %arg1, %c0_i32 : i32, i32, i32
  }
}

module attributes {stable_mosaic.version = 14 : i64} {
  func.func @_combine_body(%arg0: i32, %arg1: i32, %arg2: memref<1x1x40x128x128xf32, #tpu.memory_space<vmem>>, %arg3: memref<1x1x40x128x128xf32, #tpu.memory_space<vmem>>, %arg4: memref<1x40x128xf32, #tpu.memory_space<vmem>>, %arg5: memref<1x40x128xf32, #tpu.memory_space<vmem>>, %arg6: memref<1x40x128xf32, #tpu.memory_space<vmem>>, %arg7: memref<1x40x128x20xf32, #tpu.memory_space<vmem>>, %arg8: memref<20x128xf32, #tpu.memory_space<vmem>>, %arg9: memref<1x128xf32, #tpu.memory_space<vmem>>, %arg10: memref<128x128xf32, #tpu.memory_space<vmem>>, %arg11: memref<1x128xf32, #tpu.memory_space<vmem>>, %arg12: memref<1x40x128xf32, #tpu.memory_space<vmem>>) attributes {dimension_semantics = [#tpu.dimension_semantics<parallel>, #tpu.dimension_semantics<parallel>], iteration_bounds = array<i64: 4, 16>, scalar_prefetch = 0 : i64, scratch_operands = 0 : i64, tpu.core_type = #tpu.core_type<tc>, window_params = [{transform_indices = @transform_0, window_bounds = array<i64: 1, 1, 40, 128, 128>}, {transform_indices = @transform_1, window_bounds = array<i64: 1, 1, 40, 128, 128>}, {transform_indices = @transform_2, window_bounds = array<i64: 1, 40, 128>}, {transform_indices = @transform_3, window_bounds = array<i64: 1, 40, 128>}, {transform_indices = @transform_4, window_bounds = array<i64: 1, 40, 128>}, {transform_indices = @transform_5, window_bounds = array<i64: 1, 40, 128, 20>}, {pipeline_mode = #tpu.pipeline_mode<synchronous>, transform_indices = @transform_6, window_bounds = array<i64: 20, 128>}, {pipeline_mode = #tpu.pipeline_mode<synchronous>, transform_indices = @transform_7, window_bounds = array<i64: 1, 128>}, {pipeline_mode = #tpu.pipeline_mode<synchronous>, transform_indices = @transform_8, window_bounds = array<i64: 128, 128>}, {pipeline_mode = #tpu.pipeline_mode<synchronous>, transform_indices = @transform_9, window_bounds = array<i64: 1, 128>}, {transform_indices = @transform_10, window_bounds = array<i64: 1, 40, 128>}]} {
    %get3A = arith.constant 0 : index
    %get3A_0 = arith.constant 0 : index
    %get3A_1 = arith.constant 0 : index
    %get3A_2 = vector.load %arg4[%get3A, %get3A_0, %get3A_1] : memref<1x40x128xf32, #tpu.memory_space<vmem>>, vector<1x40x128xf32>
    %get3A_3 = vector.shape_cast %get3A_2 : vector<1x40x128xf32> to vector<40x128xf32>
    %get3A_4 = arith.constant 0 : index
    %get3A_5 = arith.constant 0 : index
    %get3A_6 = arith.constant 0 : index
    %get3A_7 = vector.load %arg5[%get3A_4, %get3A_5, %get3A_6] : memref<1x40x128xf32, #tpu.memory_space<vmem>>, vector<1x40x128xf32>
    %get3A_8 = vector.shape_cast %get3A_7 : vector<1x40x128xf32> to vector<40x128xf32>
    %get3A_9 = arith.constant 0 : index
    %get3A_10 = arith.constant 0 : index
    %get3A_11 = arith.constant 0 : index
    %get3A_12 = vector.load %arg6[%get3A_9, %get3A_10, %get3A_11] : memref<1x40x128xf32, #tpu.memory_space<vmem>>, vector<1x40x128xf32>
    %get3A_13 = vector.shape_cast %get3A_12 : vector<1x40x128xf32> to vector<40x128xf32>
    %add3A = arith.addf %get3A_3, %get3A_8 : vector<40x128xf32>
    %div3A = arith.divf %get3A_13, %add3A : vector<40x128xf32>
    %mul3A = arith.mulf %get3A_3, %div3A : vector<40x128xf32>
    %broadcast_in_dim3A = vector.shape_cast %mul3A : vector<40x128xf32> to vector<40x1x128xf32>
    %mul3A_14 = arith.mulf %get3A_8, %div3A : vector<40x128xf32>
    %broadcast_in_dim3A_15 = vector.shape_cast %mul3A_14 : vector<40x128xf32> to vector<40x1x128xf32>
    %get3A_16 = arith.constant 0 : index
    %get3A_17 = arith.constant 0 : index
    %get3A_18 = arith.constant 0 : index
    %get3A_19 = arith.constant 0 : index
    %get3A_20 = vector.load %arg7[%get3A_16, %get3A_17, %get3A_18, %get3A_19] : memref<1x40x128x20xf32, #tpu.memory_space<vmem>>, vector<1x40x128x20xf32>
    %get3A_21 = vector.shape_cast %get3A_20 : vector<1x40x128x20xf32> to vector<40x128x20xf32>
    %reshape3A = vector.shape_cast %get3A_21 : vector<40x128x20xf32> to vector<5120x20xf32>
    %get3A_22 = arith.constant 0 : index
    %get3A_23 = arith.constant 0 : index
    %get3A_24 = vector.load %arg8[%get3A_22, %get3A_23] : memref<20x128xf32, #tpu.memory_space<vmem>>, vector<20x128xf32>
    %dot_general3A = arith.constant dense<0.000000e+00> : vector<5120x128xf32>
    %dot_general3A_25 = tpu.matmul %reshape3A, %get3A_24, %dot_general3A {dimension_numbers = #tpu.dot_dimension_numbers<[1], [0], [0], [1], [0, 0, 1, 1], [], []>, transpose_lhs_hint = false} : vector<5120x20xf32>, vector<20x128xf32>, vector<5120x128xf32> -> vector<5120x128xf32>
    %reshape3A_26 = vector.shape_cast %dot_general3A_25 : vector<5120x128xf32> to vector<40x128x128xf32>
    %get3A_27 = arith.constant 0 : index
    %get3A_28 = arith.constant 0 : index
    %get3A_29 = vector.load %arg9[%get3A_27, %get3A_28] : memref<1x128xf32, #tpu.memory_space<vmem>>, vector<1x128xf32>
    %get3A_30 = vector.shape_cast %get3A_29 : vector<1x128xf32> to vector<128xf32>
    %broadcast_in_dim3A_31 = vector.shape_cast %get3A_30 : vector<128xf32> to vector<1x1x128xf32>
    %add3A_32 = vector.broadcast %broadcast_in_dim3A_31 : vector<1x1x128xf32> to vector<40x128x128xf32>
    %add3A_33 = arith.addf %reshape3A_26, %add3A_32 : vector<40x128x128xf32>
    %get3A_34 = arith.constant 0 : index
    %get3A_35 = arith.constant 0 : index
    %get3A_36 = arith.constant 0 : index
    %get3A_37 = arith.constant 0 : index
    %get3A_38 = arith.constant 0 : index
    %get3A_39 = vector.load %arg2[%get3A_34, %get3A_35, %get3A_36, %get3A_37, %get3A_38] : memref<1x1x40x128x128xf32, #tpu.memory_space<vmem>>, vector<1x1x40x128x128xf32>
    %get3A_40 = vector.shape_cast %get3A_39 : vector<1x1x40x128x128xf32> to vector<40x128x128xf32>
    %mul3A_41 = arith.mulf %add3A_33, %get3A_40 : vector<40x128x128xf32>
    %get3A_42 = arith.constant 0 : index
    %get3A_43 = arith.constant 0 : index
    %get3A_44 = arith.constant 0 : index
    %get3A_45 = arith.constant 0 : index
    %get3A_46 = arith.constant 0 : index
    %get3A_47 = vector.load %arg3[%get3A_42, %get3A_43, %get3A_44, %get3A_45, %get3A_46] : memref<1x1x40x128x128xf32, #tpu.memory_space<vmem>>, vector<1x1x40x128x128xf32>
    %get3A_48 = vector.shape_cast %get3A_47 : vector<1x1x40x128x128xf32> to vector<40x128x128xf32>
    %mul3A_49 = arith.mulf %add3A_33, %get3A_48 : vector<40x128x128xf32>
    %dot_general3A_50 = arith.constant dense<0.000000e+00> : vector<40x1x128xf32>
    %dot_general3A_51 = tpu.matmul %broadcast_in_dim3A, %mul3A_41, %dot_general3A_50 {dimension_numbers = #tpu.dot_dimension_numbers<[2], [1], [1], [2], [0, 0, 0, 1, 1, 2], [0], [0]>, transpose_lhs_hint = false} : vector<40x1x128xf32>, vector<40x128x128xf32>, vector<40x1x128xf32> -> vector<40x1x128xf32>
    %dot_general3A_52 = arith.constant dense<0.000000e+00> : vector<40x1x128xf32>
    %dot_general3A_53 = tpu.matmul %broadcast_in_dim3A_15, %mul3A_49, %dot_general3A_52 {dimension_numbers = #tpu.dot_dimension_numbers<[2], [1], [1], [2], [0, 0, 0, 1, 1, 2], [0], [0]>, transpose_lhs_hint = false} : vector<40x1x128xf32>, vector<40x128x128xf32>, vector<40x1x128xf32> -> vector<40x1x128xf32>
    %add3A_54 = arith.addf %dot_general3A_51, %dot_general3A_53 : vector<40x1x128xf32>
    %squeeze3A = vector.shape_cast %add3A_54 : vector<40x1x128xf32> to vector<40x128xf32>
    %get3A_55 = arith.constant 0 : index
    %get3A_56 = arith.constant 0 : index
    %get3A_57 = vector.load %arg10[%get3A_55, %get3A_56] : memref<128x128xf32, #tpu.memory_space<vmem>>, vector<128x128xf32>
    %dot_general3A_58 = arith.constant dense<0.000000e+00> : vector<40x128xf32>
    %dot_general3A_59 = tpu.matmul %squeeze3A, %get3A_57, %dot_general3A_58 {dimension_numbers = #tpu.dot_dimension_numbers<[1], [0], [0], [1], [0, 0, 1, 1], [], []>, transpose_lhs_hint = false} : vector<40x128xf32>, vector<128x128xf32>, vector<40x128xf32> -> vector<40x128xf32>
    %get3A_60 = arith.constant 0 : index
    %get3A_61 = arith.constant 0 : index
    %get3A_62 = vector.load %arg11[%get3A_60, %get3A_61] : memref<1x128xf32, #tpu.memory_space<vmem>>, vector<1x128xf32>
    %get3A_63 = vector.shape_cast %get3A_62 : vector<1x128xf32> to vector<128xf32>
    %broadcast_in_dim3A_64 = vector.shape_cast %get3A_63 : vector<128xf32> to vector<1x128xf32>
    %add3A_65 = vector.broadcast %broadcast_in_dim3A_64 : vector<1x128xf32> to vector<40x128xf32>
    %add3A_66 = arith.addf %dot_general3A_59, %add3A_65 : vector<40x128xf32>
    %swap3A = arith.constant 0 : index
    %swap3A_67 = arith.constant 0 : index
    %swap3A_68 = arith.constant 0 : index
    %swap3A_69 = vector.load %arg12[%swap3A, %swap3A_67, %swap3A_68] : memref<1x40x128xf32, #tpu.memory_space<vmem>>, vector<1x40x128xf32>
    %swap3A_70 = vector.shape_cast %swap3A_69 : vector<1x40x128xf32> to vector<40x128xf32>
    %swap3A_71 = vector.shape_cast %add3A_66 : vector<40x128xf32> to vector<1x40x128xf32>
    tpu.vector_store %arg12[%swap3A, %swap3A_67, %swap3A_68], %swap3A_71 {strides = array<i32>} : memref<1x40x128xf32, #tpu.memory_space<vmem>>, vector<1x40x128xf32>,
    return
  }
  func.func @transform_0(%arg0: i32, %arg1: i32) -> (i32, i32, i32, i32, i32) {
    %c0_i32 = arith.constant 0 : i32
    %c0_i32_0 = arith.constant 0 : i32
    %c0_i32_1 = arith.constant 0 : i32
    %c0_i32_2 = arith.constant 0 : i32
    return %c0_i32, %arg0, %arg1, %c0_i32_0, %c0_i32_1 : i32, i32, i32, i32, i32
  }
  func.func @transform_1(%arg0: i32, %arg1: i32) -> (i32, i32, i32, i32, i32) {
    %c1_i32 = arith.constant 1 : i32
    %c0_i32 = arith.constant 0 : i32
    %c0_i32_0 = arith.constant 0 : i32
    %c0_i32_1 = arith.constant 0 : i32
    return %c1_i32, %arg0, %arg1, %c0_i32, %c0_i32_0 : i32, i32, i32, i32, i32
  }
  func.func @transform_2(%arg0: i32, %arg1: i32) -> (i32, i32, i32) {
    %c0_i32 = arith.constant 0 : i32
    %c0_i32_0 = arith.constant 0 : i32
    return %arg0, %arg1, %c0_i32 : i32, i32, i32
  }
  func.func @transform_3(%arg0: i32, %arg1: i32) -> (i32, i32, i32) {
    %c0_i32 = arith.constant 0 : i32
    %c0_i32_0 = arith.constant 0 : i32
    return %arg0, %arg1, %c0_i32 : i32, i32, i32
  }
  func.func @transform_4(%arg0: i32, %arg1: i32) -> (i32, i32, i32) {
    %c0_i32 = arith.constant 0 : i32
    %c0_i32_0 = arith.constant 0 : i32
    return %arg0, %arg1, %c0_i32 : i32, i32, i32
  }
  func.func @transform_5(%arg0: i32, %arg1: i32) -> (i32, i32, i32, i32) {
    %c0_i32 = arith.constant 0 : i32
    %c0_i32_0 = arith.constant 0 : i32
    %c0_i32_1 = arith.constant 0 : i32
    return %arg0, %arg1, %c0_i32, %c0_i32_0 : i32, i32, i32, i32
  }
  func.func @transform_6(%arg0: i32, %arg1: i32) -> (i32, i32) {
    %c0_i32 = arith.constant 0 : i32
    %c0_i32_0 = arith.constant 0 : i32
    %c0_i32_1 = arith.constant 0 : i32
    return %c0_i32, %c0_i32_0 : i32, i32
  }
  func.func @transform_7(%arg0: i32, %arg1: i32) -> (i32, i32) {
    %c0_i32 = arith.constant 0 : i32
    %c0_i32_0 = arith.constant 0 : i32
    %c0_i32_1 = arith.constant 0 : i32
    return %c0_i32, %c0_i32_0 : i32, i32
  }
  func.func @transform_8(%arg0: i32, %arg1: i32) -> (i32, i32) {
    %c0_i32 = arith.constant 0 : i32
    %c0_i32_0 = arith.constant 0 : i32
    %c0_i32_1 = arith.constant 0 : i32
    return %c0_i32, %c0_i32_0 : i32, i32
  }
  func.func @transform_9(%arg0: i32, %arg1: i32) -> (i32, i32) {
    %c0_i32 = arith.constant 0 : i32
    %c0_i32_0 = arith.constant 0 : i32
    %c0_i32_1 = arith.constant 0 : i32
    return %c0_i32, %c0_i32_0 : i32, i32
  }
  func.func @transform_10(%arg0: i32, %arg1: i32) -> (i32, i32, i32) {
    %c0_i32 = arith.constant 0 : i32
    %c0_i32_0 = arith.constant 0 : i32
    return %arg0, %arg1, %c0_i32 : i32, i32, i32
  }
}

</mosaic_0001>

<sc_bundles>
// kernel: kernel.6.cloned.1.call-start
scs
__scs_entry_jumppad:
0x0: {  	(pc) =	sbr.rel $0x88, $3  }
0x1: {  	(tag) =	ssettag $0x0;
	lr =	simm.s32 $0x1  }
0x2: {  	[smem:$0x3F95] =	sst lr;
	_ =	strace $0xD0000000  }
0x3: {  	_ = 	snop  }
0x4: {  	_ = 	snop  }
0x5: {  	_ = 	snop  }
0x6: {  	_ = 	snop  }
0x7: {  	_ = 	snop  }
__scs_overlays_trampoline_lowered:
0x8: {  	[smem:$0x3FA4] =	sst s0  }
0x9: {  	[smem:$0x3FA5] =	sst s1  }
0xa: {  	[smem:$0x3FA6] =	sst s2  }
0xb: {  	[smem:$0x3FA7] =	sst s3  }
0xc: {  	[smem:$0x3FA8] =	sst s4  }
0xd: {  	[smem:$0x3FA9] =	sst s5  }
0xe: {  	[smem:$0x3FAA] =	sst s6  }
0xf: {  	[smem:$0x3FAB] =	sst s7  }
0x10: {  	[smem:$0x3FAC] =	sst s8  }
0x11: {  	[smem:$0x3FAD] =	sst s9;
	s0 =	simm.s32 @!p0 $0x0  }
0x12: {  	s1 =	sld [smem:$0x3F93];
	s0 =	simm.s32 @p0 $0x1  }
0x13: {  	[smem:$0x3FAE] =	sst s0;
	s0 =	simm.s32 @!p1 $0x0  }
0x14: {  	s2 =	sld [smem:$0x3F92];
	s0 =	simm.s32 @p1 $0x1  }
0x15: {  	[smem:$0x3FAF] =	sst s0;
	s0 =	simm.s32 @!p2 $0x0  }
0x16: {  	s3 =	sld [smem:$0x3FDB];
	s0 =	simm.s32 @p2 $0x1  }
0x17: {  	s4 =	simm.s32 $0x1BF5;
	[smem:$0x3FB1] =	sst s0  }
0x18: {  	s0 =	sld [smem:$0x3F94];
	_ =	swait.ge [sflag:s4], $0x0  }
0x19: {  	s7 =	sld [smem:$0x3F95]  }
0x1a: {  	s8 =	sadd.s32 $0xFFFFE003, lr  }
0x1b: {  	s9 =	sadd.s32 $0xFFFFFEF7, lr;
	s5 =	simm.s32 $0xFFFFFFFF;
	p2 =	slt.u32 s8, $0xFFFFF086  }
0x1c: {  	p1 =	slt.u32 s9, $0xF7A;
	s5 =	simm.s32 @!p2 $0x0  }
0x1d: {  	s5 =	simm.s32 @p1 $0x1;
	p0 =	seq.s32 s7, s2  }
0x1e: {  	s7 =	smul.u32 @!p0 $0xF7A, s2;
	p2 =	seq.s32 @!p0 s5, $0x0  }
0x1f: {  	s9 =	smul.u32 $0xF7A, s1;
	s8 =	simm.s32 @!p0 $0x1BF5;
	p2 =	por !p2, p0  }
0x20: {  	[sflag:s8] =	ssyncset.s32 @!p0 $0xFFFFF086;
	s6 =	sadd.s32 @!p0 s3, s7;
	s7 =	simm.s32 @!p0 $0x108  }
0x21: {  	s3 =	sadd.s32 s3, s9;
	s6 =	sadd.s32 @!p0 $0x88, s6;
	s7 =	simm.s32 @p2 $0x1082  }
0x22: {  	[simem:s7], [sflag:s8] =	dma.local @!p0 [hbm:s6], $0xF7A  }
0x23: {  	s9 =	sor.u32 $0xD0000000, s2;
	s6 =	simm.s32 $0x108;
	_ =	swait.ge @!p0 [sflag:s8], $0x0  }
0x24: {  	s3 =	sadd.s32 $0x88, s3;
	s6 =	simm.s32 @!p1 $0x1082;
	[sflag:s4] =	ssyncset.s32 $0xFFFFF086  }
0x25: {  	[simem:s6], [sflag:s4] =	dma.local [hbm:s3], $0xF7A  }
0x26: {  	[smem:$0x3F95] =	sst s1;
	(tag) =	ssettag s2;
	_ =	strace s9  }
0x27: {  	s1 =	sld [smem:$0x3FA5]  }
0x28: {  	s2 =	sld [smem:$0x3FA6]  }
0x29: {  	s4 =	sld [smem:$0x3FA8]  }
0x2a: {  	p0 =	seq.s32 s5, $0x0;
	s5 =	sld [smem:$0x3FA9]  }
0x2b: {  	s6 =	sld [smem:$0x3FAA]  }
0x2c: {  	s7 =	sld [smem:$0x3FAB]  }
0x2d: {  	s3 =	simm.s32 $0x108;
	s8 =	sld [smem:$0x3FAC]  }
0x2e: {  	s3 =	simm.s32 @!p0 $0x1082;
	s9 =	sld [smem:$0x3FAD]  }
0x2f: {  	lr =	sadd.s32 s0, s3;
	s0 =	sld [smem:$0x3FA4]  }
0x30: {  	s3 =	sld [smem:$0x3FA7]  }
0x31: {  	[smem:$0x3FB0] =	sst s10  }
0x32: {  	s10 =	sld [smem:$0x3FAE];
	_ =	sdelay $0x3  }
0x33: {  	p0 =	seq.s32 s10, $0x1;
	s10 =	sld [smem:$0x3FB0];
	_ =	sdelay $0x3  }
0x34: {  	[smem:$0x3FB0] =	sst s10  }
0x35: {  	s10 =	sld [smem:$0x3FAF];
	_ =	sdelay $0x3  }
0x36: {  	p1 =	seq.s32 s10, $0x1;
	s10 =	sld [smem:$0x3FB0];
	_ =	sdelay $0x3  }
0x37: {  	[smem:$0x3FB0] =	sst s10  }
0x38: {  	s10 =	sld [smem:$0x3FB1]  }
0x39: {  	_ = 	snop;
	(pc) =	sbr.ind lr, $3  }
0x3a: {  	_ = 	snop  }
0x3b: {  	_ = 	snop  }
0x3c: {  	p2 =	seq.s32 s10, $0x1;
	s10 =	sld [smem:$0x3FB0]  }
0x3d: {  	_ =	shalt  }
0x3e: {  	_ =	shalt  }
0x3f: {  	_ =	shalt  }
0x40: {  	_ =	shalt  }
0x41: {  	_ =	shalt  }
0x42: {  	_ =	shalt  }
0x43: {  	_ =	shalt  }
0x44: {  	_ =	shalt  }
0x45: {  	_ =	shalt  }
0x46: {  	_ =	shalt  }
0x47: {  	_ =	shalt  }
0x48: {  	_ =	shalt  }
0x49: {  	_ =	shalt  }
0x4a: {  	_ =	shalt  }
0x4b: {  	_ =	shalt  }
0x4c: {  	_ =	shalt  }
0x4d: {  	_ =	shalt  }
0x4e: {  	_ =	shalt  }
0x4f: {  	_ =	shalt  }
0x50: {  	_ =	shalt  }
0x51: {  	_ =	shalt  }
0x52: {  	_ =	shalt  }
0x53: {  	_ =	shalt  }
0x54: {  	_ =	shalt  }
0x55: {  	_ =	shalt  }
0x56: {  	_ =	shalt  }
0x57: {  	_ =	shalt  }
0x58: {  	_ =	shalt  }
0x59: {  	_ =	shalt  }
0x5a: {  	_ =	shalt  }
0x5b: {  	_ =	shalt  }
0x5c: {  	_ =	shalt  }
0x5d: {  	_ =	shalt  }
0x5e: {  	_ =	shalt  }
0x5f: {  	_ =	shalt  }
0x60: {  	_ =	shalt  }
0x61: {  	_ =	shalt  }
0x62: {  	_ =	shalt  }
0x63: {  	_ =	shalt  }
0x64: {  	_ =	shalt  }
0x65: {  	_ =	shalt  }
0x66: {  	_ =	shalt  }
0x67: {  	_ =	shalt  }
0x68: {  	_ =	shalt  }
0x69: {  	_ =	shalt  }
0x6a: {  	_ =	shalt  }
0x6b: {  	_ =	shalt  }
0x6c: {  	_ =	shalt  }
0x6d: {  	_ =	shalt  }
0x6e: {  	_ =	shalt  }
0x6f: {  	_ =	shalt  }
0x70: {  	_ =	shalt  }
0x71: {  	_ =	shalt  }
0x72: {  	_ =	shalt  }
0x73: {  	_ =	shalt  }
0x74: {  	_ =	shalt  }
0x75: {  	_ =	shalt  }
0x76: {  	_ =	shalt  }
0x77: {  	_ =	shalt  }
0x78: {  	_ =	shalt  }
0x79: {  	_ =	shalt  }
0x7a: {  	_ =	shalt  }
0x7b: {  	_ =	shalt  }
0x7c: {  	_ =	shalt  }
0x7d: {  	_ =	shalt  }
0x7e: {  	_ =	shalt  }
0x7f: {  	_ =	shalt  }
0x80: {  	_ =	shalt  }
0x81: {  	_ =	shalt  }
0x82: {  	_ =	shalt  }
0x83: {  	_ =	shalt  }
0x84: {  	_ =	shalt  }
0x85: {  	_ =	shalt  }
0x86: {  	_ =	shalt  }
0x87: {  	_ =	shalt  }
.Lfunc_end0:
.L_simem_size_0:
called_computation_lowered:
.L_overlay_start_0:
0x88: {  	s2 =	sld [smem:$0x3FD9]  }
0x89: {  	s3 =	sld [smem:$0x3FFE];
	_ =	sdelay $0x1  }
0x8a: {  	s1 =	srdreg.scid  }
0x8b: {  	s0 =	sand.u32 $0x1, s1  }
0x8c: {  	s17 =	sshll.u32 s0, $0xA;
	s2 =	sadd.s32 s3, s2  }
0x8d: {  	s2 =	sadd.s32 s2, s17  }
0x8e: {  	[smem:$0x3FBC] =	sst s2  }
0x8f: {  	_ = 	snop  }
0x90: {  	s2 =	sld [smem:$0x3FD0];
	(tm) =	ssettm $0x1  }
0x91: {  	s18 =	sld [smem:$0x3FFB];
	_ =	sdelay $0x3  }
0x92: {  	_ =	strace s18  }
0x93: {  	s3 =	sld [smem:$0x3FFC];
	_ =	sdelay $0x3  }
0x94: {  	_ =	strace s3  }
0x95: {  	s3 =	sld [smem:$0x3FFD];
	_ =	sdelay $0x3  }
0x96: {  	_ =	strace s3  }
0x97: {  	_ =	strace $0x8FFFFFFF  }
0x98: {  	s19 =	sld [smem:$0x3FDB];
	_ =	sdelay $0x1  }
0x99: {  	s4 =	simm.s32 $_scs_section_size  }
0x9a: {  	s5 =	simm.s32 $_size__tile_overlayer_lowered;
	s6 =	simm.s32 $_tile_overlayer_lowered  }
0x9b: {  	s22 =	simm.s32 $0x1BFF;
	s21 =	sshll.u32 s6, $0x1;
	s3 =	sadd.s32 s4, s19  }
0x9c: {  	s7 =	simm.s32 $0x0;
	s20 =	sshll.u32 s5, $0x1;
	s5 =	sadd.s32 s21, s3  }
0x9d: {  	[timem:s7], [sflag:s22] =	dma.local [hbm:s5], s20  }
0x9e: {  	_ =	swait.ge [sflag:s22], s20  }
0x9f: {  	s4 =	ssub.s32 $0x0, s20;
	[sflag:s22] =	ssyncset.done $0x0  }
0xa0: {  	[sflag:s22] =	ssyncadd.s32 s4;
	_ =	sdelay $0x1  }
0xa1: {  	s23 =	simm.s32 $0x1B8B  }
0xa2: {  	_ =	swait.ge [sflag:s23], $0x1  }
0xa3: {  	[sflag:s23] =	ssyncset.done $0x0  }
0xa4: {  	s25 =	simm.s32 $0x1B8E;
	s24 =	sld [smem:$0x3FFE];
	[sflag:s23] =	ssyncadd.s32 $0xFFFFFFFF  }
0xa5: {  	s26 =	simm.s32 $execute0_lowered;
	[smem:$0x3FD2] =	sst s25  }
0xa6: {  	s5 =	sshll.u32 s26, $0x1;
	_ =	strace $0x80000046;
	[dreg:$0x1] =	wrdreg $0xFFFFFFFF  }
0xa7: {  	s28 =	simm.s32 $_size_execute0_lowered;
	s3 =	sadd.s32 s3, s5;
	[dreg:$0x0] =	wrdreg $0x0  }
0xa8: {  	s5 =	sshll.u32 s28, $0x1;
	[dreg:$0x2] =	wrdreg s3  }
0xa9: {  	[dreg:$0x3] =	wrdreg s5  }
0xaa: {  	[dreg:$0x4] =	wrdreg $0xC0  }
0xab: {  	_ =	task [dreg:s7], $0x5FFFF  }
0xac: {  	[dreg:$0x1] =	wrdreg $0xFFFFFFFF  }
0xad: {  	[dreg:$0x0] =	wrdreg $0x60  }
0xae: {  	[dreg:$0x2] =	wrdreg s2  }
0xaf: {  	[dreg:$0x3] =	wrdreg s24  }
0xb0: {  	[dreg:$0x4] =	wrdreg $0x9  }
0xb1: {  	_ =	task.clear_ibuf [dreg:s7], $0x5FFFF;
	_ =	strace $0x90000046  }
0xb2: {  	s29 =	simm.s32 $0x9;
	_ =	strace $0x80000048  }
0xb3: {  	_ =	swait.ge [sflag:s29], $0x1  }
0xb4: {  	[sflag:s29] =	ssyncadd.s32 $0xFFFFFFFF  }
0xb5: {  	_ =	strace $0x90000048  }
0xb6: {  	_ =	sfence  }
0xb7: {  	s30 =	sld [smem:$0x0];
	_ =	sdelay $0x2  }
0xb8: {  	s31 =	sshll.u32 s1, $0xD;
	s1 =	sshrl.u32 s1, $0x2  }
0xb9: {  	s3 =	sand.u32 $0x4000, s31;
	s1 =	sadd.s32 s1, s30  }
0xba: {  	s0 =	sor.u32 s3, s0;
	s1 =	sshll.u32 s1, $0x11  }
0xbb: {  	s0 =	sor.u32 s1, s0  }
0xbc: {  	s0 =	sadd.s32 $0x8F2B, s0  }
0xbd: {  	[sflag:s0] =	ssyncadd.remote.s32 $0x1  }
0xbe: {  	_ =	sfence.sel $0xFFFF  }
0xbf: {  	[dreg:$0x0] =	wrdreg $0xFFFFFFFF;
	(pc) =	sbr.abs _section_cstart, $3  }
0xc0: {  	[dreg:$0x1] =	wrdreg $0xFFFFFFFF  }
0xc1: {  	_ =	task.clear_ibuf [dreg:s7], $0x2FFFF;
	_ =	strace $0x9FFFFFFF  }
0xc2: {  	(tm) =	ssettm $0x7FFFFFFF  }
0xc3: {  	_ =	shalt  }
tec
execute0_lowered:
.L_overlay_start_1:
0x0: {  	(tag) =	ssettag $0x1  }
0x1: {  	s1 =	srdreg.scid;
	s2 =	rddreg [dreg:$0x0]  }
0x2: {  	s0 =	stileid.u32;
	s4 =	rddreg [dreg:$0x1]  }
0x3: {  	s11 =	simm.s32 $0x5000;
	s12 =	simm.s32 $0x9000;
	s14 =	simm.s32 $0xD000  }
0x4: {  	s15 =	simm.s32 $0x180;
	s16 =	simm.s32 $0x11000;
	s17 =	simm.s32 $0x200  }
0x5: {  	s18 =	simm.s32 $0x15000;
	s19 =	simm.s32 $0x1;
	s20 =	simm.s32 $0x2  }
0x6: {  	s21 =	simm.s32 $0x3;
	s22 =	simm.s32 $0x4;
	s23 =	simm.s32 $0x5  }
0x7: {  	s24 =	simm.s32 $0x6;
	s25 =	simm.s32 $0x7;
	s26 =	simm.s32 $0x8  }
0x8: {  	s28 =	simm.s32 $0x9;
	s29 =	simm.s32 $0xA;
	s6 =	smul.u32 $0x140, s0  }
0x9: {  	s1 =	sand.u32 $0x1, s1;
	s3 =	sshll.u32 s0, $0x1;
	s9 =	smul.u32 $0xA0000, s0  }
0xa: {  	s30 =	simm.s32 $0x0;
	s5 =	sor.u32 s1, s3;
	s7 =	smul.u32 $0xA0, s1  }
0xb: {  	s3 =	simm.s32 $0x0;
	s8 =	ssub.s32 $0x2, s1;
	s5 =	smul.u32 $0xA00, s5  }
.Ltmp0:
0xc: {  	[smem:$0x7FF] =	sst s3;
	s10 =	sshrl.u32 s8, $0x1;
	(pc) =	sbr.rel .LBB2_1-.Ltmp0, $4  }
0xd: {  	s1 =	smul.u32 $0x50000, s1;
	_ =	strace $0x80000047;
	s8 =	ssub.s32 s8, s10  }
0xe: {  	s7 =	sadd.s32 s7, s6;
	s10 =	simm.s32 $0x80;
	s5 =	sadd.s32 s5, s4  }
0xf: {  	s4 =	sadd.s32 $0x1E600, s4;
	s6 =	smax.u32 s8, $0x1;
	s7 =	sshll.u32 s7, $0xB  }
0x10: {  	s8 =	sadd.s32 s1, s9;
	s9 =	simm.s32 $0xB;
	s5 =	sadd.s32 $0x2800, s5  }
.LBB2_4:
0x11: {  	_ =	swait.ge [sflag:s25], $0x4000  }
0x12: {  	[sflag:s25] =	ssyncset.done $0x0  }
0x13: {  	[sflag:s25] =	ssyncadd.s32 $0xFFFFC000  }
0x14: {  	_ =	swait.ge [sflag:s26], $0x4000  }
0x15: {  	[sflag:s26] =	ssyncset.done $0x0  }
0x16: {  	s30 =	sadd.s32 $0x1, s30;
	[sflag:s26] =	ssyncadd.s32 $0xFFFFC000  }
0x17: {  	p0 =	sne.s32 s30, s6;
	_ =	swait.ge [sflag:s28], $0x4000  }
.Ltmp1:
0x18: {  	[sflag:s28] =	ssyncset.done $0x0;
	(pc) =	sbr.rel @!p0 .LBB2_5-.Ltmp1, $4  }
0x19: {  	[sflag:s28] =	ssyncadd.s32 $0xFFFFC000  }
0x1a: {  	_ =	swait.ge [sflag:s29], $0x4000  }
0x1b: {  	[sflag:s29] =	ssyncset.done $0x0  }
0x1c: {  	[sflag:s29] =	ssyncadd.s32 $0xFFFFC000  }
.LBB2_1:
0x1d: {  	[tilespmem:s3], [sflag:$0xB] =	stream.linear.gather [hbm4b:s5+s3], $0x5000, $0x38;
	[tilespmem:$0x19000] =	vst v63  }
0x1e: {  	_ =	swait.ge [sflag:s9], $0x5000  }
0x1f: {  	[sflag:s9] =	ssyncset.done $0x0  }
0x20: {  	[sflag:s9] =	ssyncadd.s32 $0xFFFFB000  }
0x21: {  	[tilespmem:s11], [sflag:$0x1] =	stream.indirect.gather [hbm4b:s2+s10], $0x80, s3, s10, $0xb8;
	[tilespmem:$0x19000] =	vst v63  }
0x22: {  	_ = 	snop  }
0x23: {  	[tilespmem:s12], [sflag:$0x2] =	stream.indirect.gather [hbm4b:s2+s10], $0x80, s10, s10, $0xb8;
	[tilespmem:$0x19000] =	vst v63  }
0x24: {  	s0 =	simm.s32 $0x100  }
0x25: {  	[tilespmem:s14], [sflag:$0x3] =	stream.indirect.gather [hbm4b:s2+s10], $0x80, s0, s10, $0xb8;
	[tilespmem:$0x19000] =	vst v63  }
0x26: {  	_ = 	snop  }
0x27: {  	[tilespmem:s16], [sflag:$0x4] =	stream.indirect.gather [hbm4b:s2+s10], $0x80, s15, s10, $0xb8;
	[tilespmem:$0x19000] =	vst v63  }
0x28: {  	s31 =	smov.u32 s4;
	s1 =	simm.s32 $0x0  }
0x29: {  	[tilespmem:s18], [sflag:$0x5] =	stream.indirect.gather [hbm4b:s2+s10], $0x80, s17, s10, $0xb8;
	[tilespmem:$0x19000] =	vst v63  }
.LBB2_2:
0x2a: {  	_ =	swait.ge [sflag:s19], $0x4000  }
0x2b: {  	[sflag:s19] =	ssyncset.done $0x0  }
0x2c: {  	s0 =	sadd.s32 s31, s8;
	[sflag:s19] =	ssyncadd.s32 $0xFFFFC000  }
0x2d: {  	[hbm4b:s0+s3] =	stream.linear.scatter [tilespmem:s11], [sflag:$0x6], $0x4000, $0x38;
	[tilespmem:$0x19000] =	vst v63  }
0x2e: {  	_ =	swait.ge [sflag:s20], $0x4000  }
0x2f: {  	s0 =	sadd.s32 s31, s7;
	[sflag:s20] =	ssyncset.done $0x0  }
0x30: {  	s13 =	sadd.s32 $0x800, s0;
	[sflag:s20] =	ssyncadd.s32 $0xFFFFC000  }
0x31: {  	[hbm4b:s13+s3] =	stream.linear.scatter [tilespmem:s12], [sflag:$0x7], $0x4000, $0x38;
	[tilespmem:$0x19000] =	vst v63  }
0x32: {  	_ =	swait.ge [sflag:s21], $0x4000  }
0x33: {  	[sflag:s21] =	ssyncset.done $0x0  }
0x34: {  	s13 =	sadd.s32 $0x1000, s0;
	[sflag:s21] =	ssyncadd.s32 $0xFFFFC000  }
0x35: {  	[hbm4b:s13+s3] =	stream.linear.scatter [tilespmem:s14], [sflag:$0x8], $0x4000, $0x38;
	[tilespmem:$0x19000] =	vst v63  }
0x36: {  	_ =	swait.ge [sflag:s22], $0x4000  }
0x37: {  	[sflag:s22] =	ssyncset.done $0x0  }
0x38: {  	s13 =	sadd.s32 $0x1800, s0;
	[sflag:s22] =	ssyncadd.s32 $0xFFFFC000  }
0x39: {  	[hbm4b:s13+s3] =	stream.linear.scatter [tilespmem:s16], [sflag:$0x9], $0x4000, $0x38;
	[tilespmem:$0x19000] =	vst v63  }
0x3a: {  	_ =	swait.ge [sflag:s23], $0x4000  }
0x3b: {  	p0 =	seq.s32 s1, $0x13600;
	[sflag:s23] =	ssyncset.done $0x0  }
.Ltmp2:
0x3c: {  	s0 =	sadd.s32 $0x2000, s0;
	[sflag:s23] =	ssyncadd.s32 $0xFFFFC000;
	(pc) =	sbr.rel @p0 .LBB2_4-.Ltmp2, $4  }
0x3d: {  	[hbm4b:s0+s3] =	stream.linear.scatter [tilespmem:s18], [sflag:$0xA], $0x4000, $0x38;
	[tilespmem:$0x19000] =	vst v63  }
0x3e: {  	_ =	swait.ge [sflag:s24], $0x4000  }
0x3f: {  	[sflag:s24] =	ssyncset.done $0x0  }
0x40: {  	[sflag:s24] =	ssyncadd.s32 $0xFFFFC000  }
0x41: {  	s0 =	sshra.s32 s1, $0x2  }
0x42: {  	s13 =	sadd.s32 $0x280, s0  }
0x43: {  	[tilespmem:s11], [sflag:$0x1] =	stream.indirect.gather [hbm4b:s2+s10], $0x80, s13, s10, $0xb8;
	[tilespmem:$0x19000] =	vst v63  }
0x44: {  	_ =	swait.ge [sflag:s25], $0x4000  }
0x45: {  	[sflag:s25] =	ssyncset.done $0x0  }
0x46: {  	s13 =	sadd.s32 $0x300, s0;
	[sflag:s25] =	ssyncadd.s32 $0xFFFFC000  }
0x47: {  	[tilespmem:s12], [sflag:$0x2] =	stream.indirect.gather [hbm4b:s2+s10], $0x80, s13, s10, $0xb8;
	[tilespmem:$0x19000] =	vst v63  }
0x48: {  	_ =	swait.ge [sflag:s26], $0x4000  }
0x49: {  	[sflag:s26] =	ssyncset.done $0x0  }
0x4a: {  	s13 =	sadd.s32 $0x380, s0;
	[sflag:s26] =	ssyncadd.s32 $0xFFFFC000  }
0x4b: {  	[tilespmem:s14], [sflag:$0x3] =	stream.indirect.gather [hbm4b:s2+s10], $0x80, s13, s10, $0xb8;
	[tilespmem:$0x19000] =	vst v63  }
0x4c: {  	_ =	swait.ge [sflag:s28], $0x4000  }
0x4d: {  	[sflag:s28] =	ssyncset.done $0x0  }
0x4e: {  	s13 =	sadd.s32 $0x400, s0;
	[sflag:s28] =	ssyncadd.s32 $0xFFFFC000  }
0x4f: {  	[tilespmem:s16], [sflag:$0x4] =	stream.indirect.gather [hbm4b:s2+s10], $0x80, s13, s10, $0xb8;
	[tilespmem:$0x19000] =	vst v63  }
.Ltmp3:
0x50: {  	_ = 	snop;
	(pc) =	sbr.rel .LBB2_2-.Ltmp3, $4  }
0x51: {  	_ =	swait.ge [sflag:s29], $0x4000  }
0x52: {  	s1 =	sadd.s32 $0xA00, s1;
	[sflag:s29] =	ssyncset.done $0x0  }
0x53: {  	s31 =	sadd.s32 $0x2800, s31;
	s0 =	sadd.s32 $0x480, s0;
	[sflag:s29] =	ssyncadd.s32 $0xFFFFC000  }
0x54: {  	[tilespmem:s18], [sflag:$0x5] =	stream.indirect.gather [hbm4b:s2+s10], $0x80, s0, s10, $0xb8;
	[tilespmem:$0x19000] =	vst v63  }
.LBB2_5:
0x55: {  	_ =	sfence.sel $0x180000  }
0x56: {  	[bflag:$0x0] =	sbarrier.arrive $0xFFFF  }
0x57: {  	_ =	strace $0x90000047  }
0x58: {  	s0 =	stileid.u32;
	[bflag:$0x2] =	sbarrier.arrive $0xFFFF  }
0x59: {  	p0 =	sne.s32 s0, $0x0;
	s0 =	rddreg [dreg:$0x2]  }
0x5a: {  	s0 =	sadd.s32 @!p0 $0x100000, s0  }
0x5b: {  	[sflag:s0] =	ssyncadd.tile.s32 @!p0 $0x1;
	_ =	shalt  }
.Lfunc_end2:
_tile_overlayer_lowered:
.L_overlay_start_2:
0x5c: {  	(tag) =	ssettag $0x2  }
0x5d: {  	s0 =	rddreg [dreg:$0x0];
	s2 =	stileid.u32  }
0x5e: {  	s1 =	rddreg [dreg:$0x1];
	p0 =	sne.s32 s2, $0x0  }
0x5f: {  	s3 =	rddreg [dreg:$0x2];
	[bflag:$0x3] =	sbarrier.arrive $0xFFFF;
	s2 =	simm.s32 @!p0 $0x1C0B  }
0x60: {  	[timem:s3], [sflag:s2] =	dma.local @!p0 [hbm:s0], s1  }
0x61: {  	s0 =	simm.s32 @!p0 $0xB  }
0x62: {  	_ =	swait.ge @!p0 [sflag:s0], s1  }
0x63: {  	s1 =	ssub.s32 @!p0 $0x0, s1;
	[sflag:s0] =	ssyncset.done @!p0 $0x0  }
0x64: {  	[sflag:s0] =	ssyncadd.s32 @!p0 s1  }
0x65: {  	[bflag:$0x3] =	sbarrier.arrive $0xFFFF  }
0x66: {  	_ =	shalt  }

</sc_bundles>
